<compile_context>
chip_gen: v7x
topology: tpu7x:2x2x1
jax: 0.10.2.dev20260603
libtpu: 0.0.44.dev20260713+nightly
codegen_flags: <defaults>
</compile_context>

<pallas_src>
import functools

import jax
import jax.numpy as jnp
from jax import lax
from jax.experimental import pallas as pl
from jax.experimental.pallas import tpu as pltpu
from jax.experimental.pallas import tpu_sc as plsc

_N = 10000
_E = 160000
_B = 8
_T = 12
_H = 32
_EB = _E * _B

_NC = 2
_NS = 16
_NW = _NC * _NS
_CH = 128
_NCHUNKS = _E // _CH
_ROWS_PER_TILE = _N // _NS

_BLKR = 6400
_BLKE = 1000
_BLKN = 1000

_f32 = jnp.float32


def _sigmoid_poly(x):
    z = -x
    k = jnp.round(z * 1.4426950408889634)
    r = (z - k * 0.693359375) - k * (-2.12194440e-4)
    p = _f32(1.0 / 720.0)
    for c in (1.0 / 120.0, 1.0 / 24.0, 1.0 / 6.0, 0.5, 1.0, 1.0):
        p = p * r + _f32(c)
    return 1.0 / (1.0 + p * jnp.exp2(k))


def _vel_body(uf_ref, df_ref, w11t_ref, b11_ref, lnw1_ref, lnb1_ref,
              w12t_ref, w21t_ref, b21_ref, lnw2_ref, lnb2_ref, w22t_ref,
              sc_ref, v_ref):
    bf = jnp.bfloat16
    xu = jnp.dot(uf_ref[:].astype(bf), w11t_ref[:].astype(bf),
                 preferred_element_type=_f32) + b11_ref[:]
    mu_u = jnp.mean(xu, axis=1, keepdims=True)
    du = xu - mu_u
    var_u = jnp.mean(du * du, axis=1, keepdims=True)
    xu = du / jnp.sqrt(var_u + 1e-5) * lnw1_ref[:] + lnb1_ref[:]
    xu = jnp.maximum(xu, 0.0)
    pu = jnp.sum(xu.astype(bf).astype(_f32)
                 * w12t_ref[:].reshape(1, _H).astype(bf).astype(_f32),
                 axis=1, keepdims=True) + sc_ref[3]
    su = _sigmoid_poly(pu)
    xd = jnp.dot(df_ref[:].astype(bf), w21t_ref[:].astype(bf),
                 preferred_element_type=_f32) + b21_ref[:]
    mu_d = jnp.mean(xd, axis=1, keepdims=True)
    dd = xd - mu_d
    var_d = jnp.mean(dd * dd, axis=1, keepdims=True)
    xd = dd / jnp.sqrt(var_d + 1e-5) * lnw2_ref[:] + lnb2_ref[:]
    xd = jnp.maximum(xd, 0.0)
    pd = jnp.sum(xd.astype(bf).astype(_f32)
                 * w22t_ref[:].reshape(1, _H).astype(bf).astype(_f32),
                 axis=1, keepdims=True) + sc_ref[4]
    sd = _sigmoid_poly(pd)
    w30 = sc_ref[0].astype(bf).astype(_f32)
    w31 = sc_ref[1].astype(bf).astype(_f32)
    v_ref[:] = (w30 * su.astype(bf).astype(_f32)
                + w31 * sd.astype(bf).astype(_f32) + sc_ref[2])


def _run_vel(uf, df, w11t, b11r, lnw1, lnb1, w12t, w21t, b21r, lnw2, lnb2,
             w22t, scal):
    ga = _EB // _BLKR
    wspec = lambda shape: pl.BlockSpec(shape, lambda i: (0,) * len(shape))
    return pl.pallas_call(
        _vel_body,
        grid=(ga,),
        in_specs=[
            pl.BlockSpec((_BLKR, _T), lambda i: (i, 0)),
            pl.BlockSpec((_BLKR, _T), lambda i: (i, 0)),
            wspec((_T, _H)), wspec((1, _H)), wspec((1, _H)), wspec((1, _H)),
            wspec((_H, 1)),
            wspec((_T, _H)), wspec((1, _H)), wspec((1, _H)), wspec((1, _H)),
            wspec((_H, 1)),
            pl.BlockSpec(memory_space=pltpu.SMEM),
        ],
        out_specs=pl.BlockSpec((_BLKR, 1), lambda i: (i, 0)),
        out_shape=jax.ShapeDtypeStruct((_EB, 1), _f32),
    )(uf, df, w11t, b11r, lnw1, lnb1, w12t, w21t, b21r, lnw2, lnb2, w22t,
      scal)


def _node_body(f_ref, was_ref, wad_ref, featA_ref, adT_ref):
    f = f_ref[:]
    a_s = jnp.dot(f, was_ref[:], preferred_element_type=_f32,
                  precision=lax.Precision.HIGHEST)
    a_d = jnp.dot(f, wad_ref[:], preferred_element_type=_f32,
                  precision=lax.Precision.HIGHEST)
    featA_ref[:] = jnp.concatenate(
        [f, a_s, jnp.zeros((_BLKN, 8), _f32)], axis=1)
    adT_ref[:] = jnp.concatenate([a_d, jnp.zeros((_BLKN, 8), _f32)], axis=1)


def _run_node(f96, was96, wad96):
    gn = _N // _BLKN
    return pl.pallas_call(
        _node_body,
        grid=(gn,),
        in_specs=[
            pl.BlockSpec((_BLKN, _B * _T), lambda i: (i, 0)),
            pl.BlockSpec((_B * _T, _B), lambda i: (0, 0)),
            pl.BlockSpec((_B * _T, _B), lambda i: (0, 0)),
        ],
        out_specs=[
            pl.BlockSpec((_BLKN, 112), lambda i: (i, 0)),
            pl.BlockSpec((_BLKN, 16), lambda i: (i, 0)),
        ],
        out_shape=[
            jax.ShapeDtypeStruct((_N, 112), _f32),
            jax.ShapeDtypeStruct((_N, 16), _f32),
        ],
    )(f96, was96, wad96)


def _sc_mesh():
    return plsc.VectorSubcoreMesh(
        core_axis_name="c", subcore_axis_name="s", num_cores=_NC,
        num_subcores=_NS)


def _g1_body(featA_hbm, adT_hbm, src_hbm, dst_hbm, fsrc_hbm, addst_hbm,
             src_v, dst_v, rows_v, adrows_v, sem1, sem2):
    wid = lax.axis_index("s") * _NC + lax.axis_index("c")
    nch = jnp.where(wid < _NCHUNKS % _NW, _NCHUNKS // _NW + 1,
                    _NCHUNKS // _NW)

    def body(i, carry):
        base = (wid + i * _NW) * _CH
        pltpu.sync_copy(src_hbm.at[pl.ds(base, _CH)], src_v)
        pltpu.sync_copy(dst_hbm.at[pl.ds(base, _CH)], dst_v)
        cp1 = pltpu.async_copy(featA_hbm.at[src_v], rows_v, sem1)
        cp2 = pltpu.async_copy(adT_hbm.at[dst_v], adrows_v, sem2)
        cp1.wait()
        cp2.wait()
        pltpu.sync_copy(rows_v, fsrc_hbm.at[pl.ds(base, _CH)])
        pltpu.sync_copy(adrows_v, addst_hbm.at[pl.ds(base, _CH)])
        return carry

    lax.fori_loop(0, nch, body, 0)


@functools.cache
def _g1():
    return pl.kernel(
        _g1_body,
        out_type=(
            jax.ShapeDtypeStruct((_E, 112), _f32),
            jax.ShapeDtypeStruct((_E, 16), _f32),
        ),
        mesh=_sc_mesh(),
        scratch_types=[
            pltpu.VMEM((_CH,), jnp.int32),
            pltpu.VMEM((_CH,), jnp.int32),
            pltpu.VMEM((_CH, 112), _f32),
            pltpu.VMEM((_CH, 16), _f32),
            pltpu.SemaphoreType.DMA,
            pltpu.SemaphoreType.DMA,
        ],
        compiler_params=pltpu.CompilerParams(use_tc_tiling_on_sc=False),
    )


def _edge_body(fA_ref, addst_ref, v_ref, dist_ref, alpha_ref, rep_ref,
               c2_ref):
    fA = fA_ref[:]
    feat = fA[:, 0:96]
    asrc = fA[:, 96:104]
    a = asrc + addst_ref[:][:, 0:8]
    ee = jnp.exp(jnp.where(a > 0.0, a, 0.01 * a))
    v = v_ref[:]
    te = dist_ref[:] / (v + 1e-5)
    tq = jnp.round(te / 10.0)
    tq = jnp.where(tq < 0.0, 0.0, tq)
    tq = jnp.where(tq > float(_T), float(_T - 1), tq)
    f_coef = 1.0 / (1.0 + alpha_ref[:] * te)
    n = jnp.maximum(float(_T) - tq, 1.0)
    rep = rep_ref[:]
    f96 = jnp.dot(f_coef, rep, preferred_element_type=_f32,
                  precision=lax.Precision.HIGHEST)
    n96 = jnp.dot(n, rep, preferred_element_type=_f32,
                  precision=lax.Precision.HIGHEST)
    ti = lax.broadcasted_iota(jnp.int32, (_BLKE, 96), 1) % _T
    tf = ti.astype(_f32)
    mask = tf < n96
    ki = jnp.maximum((n96 - 1.0 - tf).astype(jnp.int32), 0)
    r = 1.0 - f96
    p = jnp.ones((_BLKE, 96), _f32)
    rc = r
    for bit in range(4):
        p = jnp.where(((ki >> bit) & 1) == 1, p * rc, p)
        rc = rc * rc
    w = jnp.where(mask, f96 * p, 0.0)
    sdot = lax.dot_general(w * feat, rep, (((1,), (1,)), ((), ())),
                           preferred_element_type=_f32,
                           precision=lax.Precision.HIGHEST)
    c2_ref[:] = jnp.concatenate([ee, ee * sdot], axis=1)


def _run_edge(fsrcA, addst, v8, dist2, alpha2, rep):
    ge = _E // _BLKE
    return pl.pallas_call(
        _edge_body,
        grid=(ge,),
        in_specs=[
            pl.BlockSpec((_BLKE, 112), lambda i: (i, 0)),
            pl.BlockSpec((_BLKE, 16), lambda i: (i, 0)),
            pl.BlockSpec((_BLKE, _B), lambda i: (i, 0)),
            pl.BlockSpec((_BLKE, 1), lambda i: (i, 0)),
            pl.BlockSpec((_BLKE, 1), lambda i: (i, 0)),
            pl.BlockSpec((_B, 96), lambda i: (0, 0)),
        ],
        out_specs=pl.BlockSpec((_BLKE, 16), lambda i: (i, 0)),
        out_shape=jax.ShapeDtypeStruct((_E, 16), _f32),
    )(fsrcA, addst, v8, dist2, alpha2, rep)


def _g2_body(c2_hbm, dst_hbm, zeros_hbm, parts_hbm, dst_v, vals_v, acc):
    cid = lax.axis_index("c")
    sid = lax.axis_index("s")
    wid = sid * _NC + cid
    row0 = sid * _ROWS_PER_TILE
    pltpu.sync_copy(zeros_hbm.at[pl.ds(row0, _ROWS_PER_TILE)],
                    acc.at[pl.ds(row0, _ROWS_PER_TILE)])
    plsc.subcore_barrier()
    nch = jnp.where(wid < _NCHUNKS % _NW, _NCHUNKS // _NW + 1,
                    _NCHUNKS // _NW)

    def body(i, carry):
        base = (wid + i * _NW) * _CH
        pltpu.sync_copy(dst_hbm.at[pl.ds(base, _CH)], dst_v)
        pltpu.sync_copy(c2_hbm.at[pl.ds(base, _CH)], vals_v)
        pltpu.sync_copy(vals_v, acc.at[dst_v], add=True)
        return carry

    lax.fori_loop(0, nch, body, 0)
    plsc.subcore_barrier()
    pltpu.sync_copy(acc.at[pl.ds(row0, _ROWS_PER_TILE)],
                    parts_hbm.at[cid, pl.ds(row0, _ROWS_PER_TILE)])


@functools.cache
def _g2():
    return pl.kernel(
        _g2_body,
        out_type=jax.ShapeDtypeStruct((_NC, _N, 16), _f32),
        mesh=_sc_mesh(),
        scratch_types=[
            pltpu.VMEM((_CH,), jnp.int32),
            pltpu.VMEM((_CH, 16), _f32),
            pltpu.VMEM_SHARED((_N, 16), _f32),
        ],
        compiler_params=pltpu.CompilerParams(use_tc_tiling_on_sc=False),
    )


def _fin_body(parts_ref, out_ref):
    p = parts_ref[:]
    s = p[0] + p[1]
    den = s[:, 0:8]
    num = s[:, 8:16]
    out_ref[:] = jnp.where(den > 0.0, num / den, 0.0)


def _run_fin(parts):
    gn = _N // _BLKN
    return pl.pallas_call(
        _fin_body,
        grid=(gn,),
        in_specs=[pl.BlockSpec((_NC, _BLKN, 16), lambda i: (0, i, 0))],
        out_specs=pl.BlockSpec((_BLKN, _B), lambda i: (i, 0)),
        out_shape=jax.ShapeDtypeStruct((_N, _B), _f32),
    )(parts)


def kernel(upstream_flows, downstream_flows, feature, distance, edge_index,
           W11, b11, ln11_w, ln11_b, W12, b12, W21, b21, ln21_w, ln21_b,
           W22, b22, W3, b3, alpha, Wfc, Wattn):
    uf = upstream_flows.reshape(_EB, _T)
    df = downstream_flows.reshape(_EB, _T)
    f96 = feature.reshape(_N, _B * _T)
    src = edge_index[0]
    dst = edge_index[1]
    dist2 = distance.reshape(_E, 1)

    w11t = W11.T
    w21t = W21.T
    w12t = W12.T
    w22t = W22.T
    b11r = b11.reshape(1, _H)
    b21r = b21.reshape(1, _H)
    lnw1 = ln11_w.reshape(1, _H)
    lnb1 = ln11_b.reshape(1, _H)
    lnw2 = ln21_w.reshape(1, _H)
    lnb2 = ln21_b.reshape(1, _H)
    scal = jnp.stack([W3[0, 0], W3[0, 1], b3[0], b12[0], b22[0]])
    vs_vec = Wfc.T @ Wattn[0, :_H]
    vd_vec = Wfc.T @ Wattn[0, _H:]
    eye8 = jnp.eye(_B, dtype=_f32)
    was96 = jnp.kron(eye8, vs_vec.reshape(_T, 1))
    wad96 = jnp.kron(eye8, vd_vec.reshape(_T, 1))
    rep = jnp.kron(eye8, jnp.ones((1, _T), _f32))

    v = _run_vel(uf, df, w11t, b11r, lnw1, lnb1, w12t, w21t, b21r, lnw2,
                 lnb2, w22t, scal)
    v8 = v.reshape(_E, _B)
    featA, adT = _run_node(f96, was96, wad96)
    fsrcA, addst = _g1()(featA, adT, src, dst)
    c2 = _run_edge(fsrcA, addst, v8, dist2, alpha, rep)
    parts = _g2()(c2, dst, jnp.zeros((_N, 16), _f32))
    return _run_fin(parts)

# --- scband reference (transcript-rebuilt; emitter-appended) ---
"""Pipeline reference for scband-diffusion-model-14010183319916 (READ-ONLY COPY).

The authoritative reference and input builder live on the scoring server;
editing this copy changes nothing except your own understanding.
"""

import jax, jax.numpy as jnp
import numpy as np

N = 10000
E = 160000
B = 8
T_IN = 12
H = 32
TIME_UNITS = 10.0


def setup_inputs(seed: int = 0):
    key = jax.random.key(seed)
    ks = jax.random.split(key, 16)
    s = 0.1
    inp = {}
    inp['upstream_flows'] = jax.random.uniform(ks[0], (E, B, T_IN), dtype=jnp.float32)
    inp['downstream_flows'] = jax.random.uniform(ks[1], (E, B, T_IN), dtype=jnp.float32)
    inp['feature'] = jax.random.normal(ks[2], (N, B, T_IN), dtype=jnp.float32)
    inp['distance'] = jax.random.uniform(ks[3], (E,), dtype=jnp.float32) * 10.0 + 1.0
    inp['edge_index'] = jax.random.randint(ks[4], (2, E), 0, N, dtype=jnp.int32)
    inp['W11'] = jax.random.normal(ks[5], (H, T_IN), dtype=jnp.float32) * s
    inp['b11'] = jnp.zeros((H,), jnp.float32)
    inp['ln11_w'] = jnp.ones((H,), jnp.float32)
    inp['ln11_b'] = jnp.zeros((H,), jnp.float32)
    inp['W12'] = jax.random.normal(ks[6], (1, H), dtype=jnp.float32) * s
    inp['b12'] = jnp.zeros((1,), jnp.float32)
    inp['W21'] = jax.random.normal(ks[7], (H, T_IN), dtype=jnp.float32) * s
    inp['b21'] = jnp.zeros((H,), jnp.float32)
    inp['ln21_w'] = jnp.ones((H,), jnp.float32)
    inp['ln21_b'] = jnp.zeros((H,), jnp.float32)
    inp['W22'] = jax.random.normal(ks[8], (1, H), dtype=jnp.float32) * s
    inp['b22'] = jnp.zeros((1,), jnp.float32)
    inp['W3'] = jnp.abs(jax.random.normal(ks[9], (1, 2), dtype=jnp.float32))
    inp['b3'] = jnp.full((1,), 0.5, jnp.float32)
    inp['alpha'] = jnp.ones((E, 1), jnp.float32)
    inp['Wfc'] = jax.random.normal(ks[10], (H, T_IN), dtype=jnp.float32) * s
    inp['Wattn'] = jax.random.normal(ks[11], (1, 2 * H), dtype=jnp.float32) * s
    return inp


def _layer_norm(x, w, b):
    mu = jnp.mean(x, axis=-1, keepdims=True)
    var = jnp.mean((x - mu) ** 2, axis=-1, keepdims=True)
    return (x - mu) / jnp.sqrt(var + 1e-5) * w + b


def _forward(upstream_flows, downstream_flows, feature, distance, W11, b11, ln11_w, ln11_b, W12, b12, W21, b21, ln21_w, ln21_b, W22, b22, W3, b3, alpha, Wfc, Wattn, src, dst):
    # velocity model (eval mode: dropout is identity)
    xu = upstream_flows @ W11.T + b11
    xu = _layer_norm(xu, ln11_w, ln11_b)
    xu = jax.nn.relu(xu)
    xu = jax.nn.sigmoid(xu @ W12.T + b12)
    xd = downstream_flows @ W21.T + b21
    xd = _layer_norm(xd, ln21_w, ln21_b)
    xd = jax.nn.relu(xd)
    xd = jax.nn.sigmoid(xd @ W22.T + b22)
    xc = jnp.concatenate([xu, xd], axis=2)
    v = (xc @ W3.T + b3)[:, :, 0].T  # [B, E]
    # edge attention from node embeddings
    z = feature @ Wfc.T  # [N, B, H]
    zcat = jnp.concatenate([z[src], z[dst]], axis=2)  # [E, B, 2H]
    a = (zcat @ Wattn.T)[:, :, 0]  # [E, B]
    e = jax.nn.leaky_relu(a, negative_slope=0.01)
    # travel time and diffusion coefficients
    Tmat = distance[None, :] / (v + 1e-05)  # [B, E]
    T_idx = jnp.round(Tmat / TIME_UNITS)
    T_idx = jnp.where(T_idx < 0, 0.0, T_idx)
    T_idx = jnp.where(T_idx > T_IN, float(T_IN - 1), T_idx)
    Te = Tmat.T  # [E, B]
    T_idx_e = T_idx.T  # [E, B]
    F = 1.0 / (1.0 + alpha * Te)  # [E, B]
    n = jnp.maximum(float(T_IN) - T_idx_e, 1.0)  # [E, B]
    j = jnp.arange(T_IN, dtype=jnp.float32)
    mask = j[None, None, :] < n[:, :, None]
    expo = jnp.where(mask, n[:, :, None] - 1.0 - j[None, None, :], 0.0)
    diffusion = jnp.where(mask, F[:, :, None] * jnp.power(1.0 - F[:, :, None], expo), 0.0)  # [E, B, T]
    # segment softmax over incoming edges of each dst node (== softmax over mailbox dim)
    m = jax.ops.segment_max(e, dst, num_segments=N)  # [N, B]
    ee = jnp.exp(e - m[dst])
    denom = jax.ops.segment_sum(ee, dst, num_segments=N)
    att = ee / denom[dst]  # [E, B]
    up_feat = feature[src]  # [E, B, T]
    pred_edge = jnp.sum(diffusion * (att[:, :, None] * up_feat), axis=2)  # [E, B]
    pred = jax.ops.segment_sum(pred_edge, dst, num_segments=N)  # [N, B]
    return pred


def reference(upstream_flows, downstream_flows, feature, distance, edge_index, W11, b11, ln11_w, ln11_b, W12, b12, W21, b21, ln21_w, ln21_b, W22, b22, W3, b3, alpha, Wfc, Wattn):
    src = edge_index[0]
    dst = edge_index[1]
    return _forward(upstream_flows, downstream_flows, feature, distance, W11, b11, ln11_w, ln11_b, W12, b12, W21, b21, ln21_w, ln21_b, W22, b22, W3, b3, alpha, Wfc, Wattn, src, dst)

if __name__ == "__main__":
    import jax
    _d = setup_inputs()
    print(jax.jit(kernel)(*tuple(_d.values())))

</pallas_src>

<mosaic_0001>
#map = affine_map<(d0, d1) -> (0, 0)>
#map1 = affine_map<(d0, d1) -> (0)>
#map2 = affine_map<(d0, d1) -> (0, 0, 0)>
module attributes {stable_mosaic.version = 14 : i64} {
  func.func @_g2_body(%arg0: i32, %arg1: i32, %arg2: memref<160000x16xf32, #tpu.memory_space<hbm>>, %arg3: memref<160000xi32, #tpu.memory_space<hbm>>, %arg4: memref<10000x16xf32, #tpu.memory_space<hbm>>, %arg5: memref<2x10000x16xf32, #tpu.memory_space<hbm>>, %arg6: memref<128xi32, #tpu.memory_space<vmem>>, %arg7: memref<128x16xf32, #tpu.memory_space<vmem>>, %arg8: memref<10000x16xf32, #tpu.memory_space<vmem_shared>>) attributes {dimension_semantics = [#tpu.dimension_semantics<core_parallel>, #tpu.dimension_semantics<subcore_parallel>], iteration_bounds = array<i64: 2, 16>, scalar_prefetch = 0 : i64, scratch_operands = 3 : i64, tpu.core_type = #tpu.core_type<sc_vector_subcore>, window_params = [{transform_indices = #map}, {transform_indices = #map1}, {transform_indices = #map}, {transform_indices = #map2}]} {
    %mul3A = arith.constant 2 : i32
    %mul3A_0 = arith.muli %arg1, %mul3A : i32
    %add3A = arith.addi %mul3A_0, %arg0 : i32
    %mul3A_1 = arith.constant 625 : i32
    %mul3A_2 = arith.muli %arg1, %mul3A_1 : i32
    "tpu.region"() ({
      %run_scoped3A = tpu.sem_alloc : memref<!tpu.dma_semaphore, #tpu.memory_space<semaphore_mem>>
      %dma_start3A = arith.constant 0 : i32
      %dma_start3A_15 = tpu.memref_slice %arg8[%mul3A_2, %dma_start3A] : memref<10000x16xf32, #tpu.memory_space<vmem_shared>> -> memref<625x16xf32, #tpu.memory_space<vmem_shared>>
      %dma_start3A_16 = arith.constant 0 : i32
      %dma_start3A_17 = tpu.memref_slice %arg4[%mul3A_2, %dma_start3A_16] : memref<10000x16xf32, #tpu.memory_space<hbm>> -> memref<625x16xf32, #tpu.memory_space<hbm>>
      tpu.enqueue_dma source(%dma_start3A_17 : memref<625x16xf32, #tpu.memory_space<hbm>>) target(%dma_start3A_15 : memref<625x16xf32, #tpu.memory_space<vmem_shared>>) target_semaphore(%run_scoped3A : memref<!tpu.dma_semaphore, #tpu.memory_space<semaphore_mem>>)
      %dma_wait3A = arith.constant 0 : i32
      %dma_wait3A_18 = tpu.memref_slice %arg8[%mul3A_2, %dma_wait3A] : memref<10000x16xf32, #tpu.memory_space<vmem_shared>> -> memref<625x16xf32, #tpu.memory_space<vmem_shared>>
      %dma_wait3A_19 = arith.constant 0 : i32
      %dma_wait3A_20 = tpu.memref_slice %arg4[%mul3A_2, %dma_wait3A_19] : memref<10000x16xf32, #tpu.memory_space<hbm>> -> memref<625x16xf32, #tpu.memory_space<hbm>>
      tpu.wait_dma2 semaphore(%run_scoped3A : memref<!tpu.dma_semaphore, #tpu.memory_space<semaphore_mem>>) src(%dma_wait3A_20 : memref<625x16xf32, #tpu.memory_space<hbm>>) dst(%dma_wait3A_18 : memref<625x16xf32, #tpu.memory_space<vmem_shared>>)
      tpu.yield
    }) : () -> ()
    %barrier3A = arith.constant 0 : index
    tpu.barrier barrier_id(%barrier3A)
    %lt3A = arith.constant 2 : i32
    %lt3A_3 = arith.cmpi slt, %add3A, %lt3A : i32
    %jit3A = arith.constant 40 : i32
    %jit3A_4 = arith.constant 39 : i32
    %select_n3A = arith.select %lt3A_3, %jit3A, %jit3A_4 : i32
    %while3A = arith.constant 0 : i32
    %while3A_5 = arith.constant 0 : i32
    %while3A_6 = arith.subi %select_n3A, %while3A_5 : i32
    %while3A_7 = arith.addi %while3A_5, %while3A_6 : i32
    %while3A_8 = arith.constant 1 : i32
    %while3A_9 = arith.divsi %while3A_6, %while3A_8 : i32
    %while3A_10 = arith.muli %while3A_9, %while3A_8 : i32
    %while3A_11 = arith.addi %while3A_5, %while3A_10 : i32
    %while3A_12 = arith.constant 1 : i32
    scf.for %while3A_15 = %while3A_5 to %while3A_11 step %while3A_12  : i32 {
      %mul3A_16 = arith.constant 32 : i32
      %mul3A_17 = arith.muli %while3A_15, %mul3A_16 : i32
      %add3A_18 = arith.addi %add3A, %mul3A_17 : i32
      %mul3A_19 = arith.constant 128 : i32
      %mul3A_20 = arith.muli %add3A_18, %mul3A_19 : i32
      "tpu.region"() ({
        %run_scoped3A = tpu.sem_alloc : memref<!tpu.dma_semaphore, #tpu.memory_space<semaphore_mem>>
        %dma_start3A = tpu.memref_slice %arg3[%mul3A_20] : memref<160000xi32, #tpu.memory_space<hbm>> -> memref<128xi32, #tpu.memory_space<hbm>>
        %dma_start3A_21 = tpu.memref_slice %arg3[%mul3A_20] : memref<160000xi32, #tpu.memory_space<hbm>> -> memref<128xi32, #tpu.memory_space<hbm>>
        tpu.enqueue_dma source(%dma_start3A_21 : memref<128xi32, #tpu.memory_space<hbm>>) target(%arg6 : memref<128xi32, #tpu.memory_space<vmem>>) target_semaphore(%run_scoped3A : memref<!tpu.dma_semaphore, #tpu.memory_space<semaphore_mem>>)
        %dma_wait3A = tpu.memref_slice %arg3[%mul3A_20] : memref<160000xi32, #tpu.memory_space<hbm>> -> memref<128xi32, #tpu.memory_space<hbm>>
        %dma_wait3A_22 = tpu.memref_slice %arg3[%mul3A_20] : memref<160000xi32, #tpu.memory_space<hbm>> -> memref<128xi32, #tpu.memory_space<hbm>>
        tpu.wait_dma2 semaphore(%run_scoped3A : memref<!tpu.dma_semaphore, #tpu.memory_space<semaphore_mem>>) src(%dma_wait3A_22 : memref<128xi32, #tpu.memory_space<hbm>>) dst(%arg6 : memref<128xi32, #tpu.memory_space<vmem>>)
        tpu.yield
      }) : () -> ()
      "tpu.region"() ({
        %run_scoped3A = tpu.sem_alloc : memref<!tpu.dma_semaphore, #tpu.memory_space<semaphore_mem>>
        %dma_start3A = arith.constant 0 : i32
        %dma_start3A_21 = tpu.memref_slice %arg2[%mul3A_20, %dma_start3A] : memref<160000x16xf32, #tpu.memory_space<hbm>> -> memref<128x16xf32, #tpu.memory_space<hbm>>
        %dma_start3A_22 = arith.constant 0 : i32
        %dma_start3A_23 = tpu.memref_slice %arg2[%mul3A_20, %dma_start3A_22] : memref<160000x16xf32, #tpu.memory_space<hbm>> -> memref<128x16xf32, #tpu.memory_space<hbm>>
        tpu.enqueue_dma source(%dma_start3A_23 : memref<128x16xf32, #tpu.memory_space<hbm>>) target(%arg7 : memref<128x16xf32, #tpu.memory_space<vmem>>) target_semaphore(%run_scoped3A : memref<!tpu.dma_semaphore, #tpu.memory_space<semaphore_mem>>)
        %dma_wait3A = arith.constant 0 : i32
        %dma_wait3A_24 = tpu.memref_slice %arg2[%mul3A_20, %dma_wait3A] : memref<160000x16xf32, #tpu.memory_space<hbm>> -> memref<128x16xf32, #tpu.memory_space<hbm>>
        %dma_wait3A_25 = arith.constant 0 : i32
        %dma_wait3A_26 = tpu.memref_slice %arg2[%mul3A_20, %dma_wait3A_25] : memref<160000x16xf32, #tpu.memory_space<hbm>> -> memref<128x16xf32, #tpu.memory_space<hbm>>
        tpu.wait_dma2 semaphore(%run_scoped3A : memref<!tpu.dma_semaphore, #tpu.memory_space<semaphore_mem>>) src(%dma_wait3A_26 : memref<128x16xf32, #tpu.memory_space<hbm>>) dst(%arg7 : memref<128x16xf32, #tpu.memory_space<vmem>>)
        tpu.yield
      }) : () -> ()
      "tpu.region"() ({
        %run_scoped3A = tpu.sem_alloc : memref<!tpu.dma_semaphore, #tpu.memory_space<semaphore_mem>>
        %dma_start3A = arith.constant 0 : i32
        %dma_start3A_21 = arith.constant 0 : i32
        %dma_start3A_22 = tpu.memref_slice %arg8[%dma_start3A, %dma_start3A_21] : memref<10000x16xf32, #tpu.memory_space<vmem_shared>> -> memref<10000x16xf32, #tpu.memory_space<vmem_shared>>
        tpu.enqueue_indirect_dma source(%arg7 : memref<128x16xf32, #tpu.memory_space<vmem>>) target(%dma_start3A_22 : memref<10000x16xf32, #tpu.memory_space<vmem_shared>>) offsets(%arg6 : memref<128xi32, #tpu.memory_space<vmem>>) semaphore(%run_scoped3A : memref<!tpu.dma_semaphore, #tpu.memory_space<semaphore_mem>>) {add = true}
        %dma_wait3A = arith.constant 0 : i32
        %dma_wait3A_23 = arith.constant 0 : i32
        %dma_wait3A_24 = tpu.memref_slice %arg8[%dma_wait3A, %dma_wait3A_23] : memref<10000x16xf32, #tpu.memory_space<vmem_shared>> -> memref<10000x16xf32, #tpu.memory_space<vmem_shared>>
        tpu.wait_indirect_dma semaphore(%run_scoped3A : memref<!tpu.dma_semaphore, #tpu.memory_space<semaphore_mem>>) src(%arg7 : memref<128x16xf32, #tpu.memory_space<vmem>>) dst(%dma_wait3A_24 : memref<10000x16xf32, #tpu.memory_space<vmem_shared>>)
        tpu.yield
      }) : () -> ()
    }
    %while3A_13 = arith.constant 1 : i32
    scf.for %while3A_15 = %while3A_11 to %while3A_7 step %while3A_13  : i32 {
      %mul3A_16 = arith.constant 32 : i32
      %mul3A_17 = arith.muli %while3A_15, %mul3A_16 : i32
      %add3A_18 = arith.addi %add3A, %mul3A_17 : i32
      %mul3A_19 = arith.constant 128 : i32
      %mul3A_20 = arith.muli %add3A_18, %mul3A_19 : i32
      "tpu.region"() ({
        %run_scoped3A = tpu.sem_alloc : memref<!tpu.dma_semaphore, #tpu.memory_space<semaphore_mem>>
        %dma_start3A = tpu.memref_slice %arg3[%mul3A_20] : memref<160000xi32, #tpu.memory_space<hbm>> -> memref<128xi32, #tpu.memory_space<hbm>>
        %dma_start3A_21 = tpu.memref_slice %arg3[%mul3A_20] : memref<160000xi32, #tpu.memory_space<hbm>> -> memref<128xi32, #tpu.memory_space<hbm>>
        tpu.enqueue_dma source(%dma_start3A_21 : memref<128xi32, #tpu.memory_space<hbm>>) target(%arg6 : memref<128xi32, #tpu.memory_space<vmem>>) target_semaphore(%run_scoped3A : memref<!tpu.dma_semaphore, #tpu.memory_space<semaphore_mem>>)
        %dma_wait3A = tpu.memref_slice %arg3[%mul3A_20] : memref<160000xi32, #tpu.memory_space<hbm>> -> memref<128xi32, #tpu.memory_space<hbm>>
        %dma_wait3A_22 = tpu.memref_slice %arg3[%mul3A_20] : memref<160000xi32, #tpu.memory_space<hbm>> -> memref<128xi32, #tpu.memory_space<hbm>>
        tpu.wait_dma2 semaphore(%run_scoped3A : memref<!tpu.dma_semaphore, #tpu.memory_space<semaphore_mem>>) src(%dma_wait3A_22 : memref<128xi32, #tpu.memory_space<hbm>>) dst(%arg6 : memref<128xi32, #tpu.memory_space<vmem>>)
        tpu.yield
      }) : () -> ()
      "tpu.region"() ({
        %run_scoped3A = tpu.sem_alloc : memref<!tpu.dma_semaphore, #tpu.memory_space<semaphore_mem>>
        %dma_start3A = arith.constant 0 : i32
        %dma_start3A_21 = tpu.memref_slice %arg2[%mul3A_20, %dma_start3A] : memref<160000x16xf32, #tpu.memory_space<hbm>> -> memref<128x16xf32, #tpu.memory_space<hbm>>
        %dma_start3A_22 = arith.constant 0 : i32
        %dma_start3A_23 = tpu.memref_slice %arg2[%mul3A_20, %dma_start3A_22] : memref<160000x16xf32, #tpu.memory_space<hbm>> -> memref<128x16xf32, #tpu.memory_space<hbm>>
        tpu.enqueue_dma source(%dma_start3A_23 : memref<128x16xf32, #tpu.memory_space<hbm>>) target(%arg7 : memref<128x16xf32, #tpu.memory_space<vmem>>) target_semaphore(%run_scoped3A : memref<!tpu.dma_semaphore, #tpu.memory_space<semaphore_mem>>)
        %dma_wait3A = arith.constant 0 : i32
        %dma_wait3A_24 = tpu.memref_slice %arg2[%mul3A_20, %dma_wait3A] : memref<160000x16xf32, #tpu.memory_space<hbm>> -> memref<128x16xf32, #tpu.memory_space<hbm>>
        %dma_wait3A_25 = arith.constant 0 : i32
        %dma_wait3A_26 = tpu.memref_slice %arg2[%mul3A_20, %dma_wait3A_25] : memref<160000x16xf32, #tpu.memory_space<hbm>> -> memref<128x16xf32, #tpu.memory_space<hbm>>
        tpu.wait_dma2 semaphore(%run_scoped3A : memref<!tpu.dma_semaphore, #tpu.memory_space<semaphore_mem>>) src(%dma_wait3A_26 : memref<128x16xf32, #tpu.memory_space<hbm>>) dst(%arg7 : memref<128x16xf32, #tpu.memory_space<vmem>>)
        tpu.yield
      }) : () -> ()
      "tpu.region"() ({
        %run_scoped3A = tpu.sem_alloc : memref<!tpu.dma_semaphore, #tpu.memory_space<semaphore_mem>>
        %dma_start3A = arith.constant 0 : i32
        %dma_start3A_21 = arith.constant 0 : i32
        %dma_start3A_22 = tpu.memref_slice %arg8[%dma_start3A, %dma_start3A_21] : memref<10000x16xf32, #tpu.memory_space<vmem_shared>> -> memref<10000x16xf32, #tpu.memory_space<vmem_shared>>
        tpu.enqueue_indirect_dma source(%arg7 : memref<128x16xf32, #tpu.memory_space<vmem>>) target(%dma_start3A_22 : memref<10000x16xf32, #tpu.memory_space<vmem_shared>>) offsets(%arg6 : memref<128xi32, #tpu.memory_space<vmem>>) semaphore(%run_scoped3A : memref<!tpu.dma_semaphore, #tpu.memory_space<semaphore_mem>>) {add = true}
        %dma_wait3A = arith.constant 0 : i32
        %dma_wait3A_23 = arith.constant 0 : i32
        %dma_wait3A_24 = tpu.memref_slice %arg8[%dma_wait3A, %dma_wait3A_23] : memref<10000x16xf32, #tpu.memory_space<vmem_shared>> -> memref<10000x16xf32, #tpu.memory_space<vmem_shared>>
        tpu.wait_indirect_dma semaphore(%run_scoped3A : memref<!tpu.dma_semaphore, #tpu.memory_space<semaphore_mem>>) src(%arg7 : memref<128x16xf32, #tpu.memory_space<vmem>>) dst(%dma_wait3A_24 : memref<10000x16xf32, #tpu.memory_space<vmem_shared>>)
        tpu.yield
      }) : () -> ()
    }
    %barrier3A_14 = arith.constant 0 : index
    tpu.barrier barrier_id(%barrier3A_14)
    "tpu.region"() ({
      %run_scoped3A = tpu.sem_alloc : memref<!tpu.dma_semaphore, #tpu.memory_space<semaphore_mem>>
      %dma_start3A = arith.constant 0 : i32
      %dma_start3A_15 = tpu.memref_slice %arg5[%arg0, %mul3A_2, %dma_start3A] : memref<2x10000x16xf32, #tpu.memory_space<hbm>> -> memref<1x625x16xf32, #tpu.memory_space<hbm>>
      %dma_start3A_16 = tpu.memref_squeeze %dma_start3A_15 : memref<1x625x16xf32, #tpu.memory_space<hbm>> -> memref<625x16xf32, #tpu.memory_space<hbm>>
      %dma_start3A_17 = arith.constant 0 : i32
      %dma_start3A_18 = tpu.memref_slice %arg8[%mul3A_2, %dma_start3A_17] : memref<10000x16xf32, #tpu.memory_space<vmem_shared>> -> memref<625x16xf32, #tpu.memory_space<vmem_shared>>
      tpu.enqueue_dma source(%dma_start3A_18 : memref<625x16xf32, #tpu.memory_space<vmem_shared>>) target(%dma_start3A_16 : memref<625x16xf32, #tpu.memory_space<hbm>>) target_semaphore(%run_scoped3A : memref<!tpu.dma_semaphore, #tpu.memory_space<semaphore_mem>>)
      %dma_wait3A = arith.constant 0 : i32
      %dma_wait3A_19 = tpu.memref_slice %arg5[%arg0, %mul3A_2, %dma_wait3A] : memref<2x10000x16xf32, #tpu.memory_space<hbm>> -> memref<1x625x16xf32, #tpu.memory_space<hbm>>
      %dma_wait3A_20 = tpu.memref_squeeze %dma_wait3A_19 : memref<1x625x16xf32, #tpu.memory_space<hbm>> -> memref<625x16xf32, #tpu.memory_space<hbm>>
      %dma_wait3A_21 = arith.constant 0 : i32
      %dma_wait3A_22 = tpu.memref_slice %arg8[%mul3A_2, %dma_wait3A_21] : memref<10000x16xf32, #tpu.memory_space<vmem_shared>> -> memref<625x16xf32, #tpu.memory_space<vmem_shared>>
      tpu.wait_dma2 semaphore(%run_scoped3A : memref<!tpu.dma_semaphore, #tpu.memory_space<semaphore_mem>>) src(%dma_wait3A_22 : memref<625x16xf32, #tpu.memory_space<vmem_shared>>) dst(%dma_wait3A_20 : memref<625x16xf32, #tpu.memory_space<hbm>>)
      tpu.yield
    }) : () -> ()
    return
  }
}

#map = affine_map<(d0, d1) -> (0, 0)>
#map1 = affine_map<(d0, d1) -> (0)>
module attributes {stable_mosaic.version = 14 : i64} {
  func.func @_g1_body(%arg0: i32, %arg1: i32, %arg2: memref<10000x112xf32, #tpu.memory_space<hbm>>, %arg3: memref<10000x16xf32, #tpu.memory_space<hbm>>, %arg4: memref<160000xi32, #tpu.memory_space<hbm>>, %arg5: memref<160000xi32, #tpu.memory_space<hbm>>, %arg6: memref<160000x112xf32, #tpu.memory_space<hbm>>, %arg7: memref<160000x16xf32, #tpu.memory_space<hbm>>, %arg8: memref<128xi32, #tpu.memory_space<vmem>>, %arg9: memref<128xi32, #tpu.memory_space<vmem>>, %arg10: memref<128x112xf32, #tpu.memory_space<vmem>>, %arg11: memref<128x16xf32, #tpu.memory_space<vmem>>, %arg12: memref<!tpu.dma_semaphore, #tpu.memory_space<semaphore_mem>>, %arg13: memref<!tpu.dma_semaphore, #tpu.memory_space<semaphore_mem>>) attributes {dimension_semantics = [#tpu.dimension_semantics<core_parallel>, #tpu.dimension_semantics<subcore_parallel>], iteration_bounds = array<i64: 2, 16>, scalar_prefetch = 0 : i64, scratch_operands = 6 : i64, tpu.core_type = #tpu.core_type<sc_vector_subcore>, window_params = [{transform_indices = #map}, {transform_indices = #map}, {transform_indices = #map1}, {transform_indices = #map1}, {transform_indices = #map}, {transform_indices = #map}]} {
    %mul3A = arith.constant 2 : i32
    %mul3A_0 = arith.muli %arg1, %mul3A : i32
    %add3A = arith.addi %mul3A_0, %arg0 : i32
    %lt3A = arith.constant 2 : i32
    %lt3A_1 = arith.cmpi slt, %add3A, %lt3A : i32
    %jit3A = arith.constant 40 : i32
    %jit3A_2 = arith.constant 39 : i32
    %select_n3A = arith.select %lt3A_1, %jit3A, %jit3A_2 : i32
    %while3A = arith.constant 0 : i32
    %while3A_3 = arith.constant 0 : i32
    %while3A_4 = arith.subi %select_n3A, %while3A_3 : i32
    %while3A_5 = arith.addi %while3A_3, %while3A_4 : i32
    %while3A_6 = arith.constant 1 : i32
    %while3A_7 = arith.divsi %while3A_4, %while3A_6 : i32
    %while3A_8 = arith.muli %while3A_7, %while3A_6 : i32
    %while3A_9 = arith.addi %while3A_3, %while3A_8 : i32
    %while3A_10 = arith.constant 1 : i32
    scf.for %while3A_12 = %while3A_3 to %while3A_9 step %while3A_10  : i32 {
      %mul3A_13 = arith.constant 32 : i32
      %mul3A_14 = arith.muli %while3A_12, %mul3A_13 : i32
      %add3A_15 = arith.addi %add3A, %mul3A_14 : i32
      %mul3A_16 = arith.constant 128 : i32
      %mul3A_17 = arith.muli %add3A_15, %mul3A_16 : i32
      "tpu.region"() ({
        %run_scoped3A = tpu.sem_alloc : memref<!tpu.dma_semaphore, #tpu.memory_space<semaphore_mem>>
        %dma_start3A_28 = tpu.memref_slice %arg4[%mul3A_17] : memref<160000xi32, #tpu.memory_space<hbm>> -> memref<128xi32, #tpu.memory_space<hbm>>
        %dma_start3A_29 = tpu.memref_slice %arg4[%mul3A_17] : memref<160000xi32, #tpu.memory_space<hbm>> -> memref<128xi32, #tpu.memory_space<hbm>>
        tpu.enqueue_dma source(%dma_start3A_29 : memref<128xi32, #tpu.memory_space<hbm>>) target(%arg8 : memref<128xi32, #tpu.memory_space<vmem>>) target_semaphore(%run_scoped3A : memref<!tpu.dma_semaphore, #tpu.memory_space<semaphore_mem>>)
        %dma_wait3A_30 = tpu.memref_slice %arg4[%mul3A_17] : memref<160000xi32, #tpu.memory_space<hbm>> -> memref<128xi32, #tpu.memory_space<hbm>>
        %dma_wait3A_31 = tpu.memref_slice %arg4[%mul3A_17] : memref<160000xi32, #tpu.memory_space<hbm>> -> memref<128xi32, #tpu.memory_space<hbm>>
        tpu.wait_dma2 semaphore(%run_scoped3A : memref<!tpu.dma_semaphore, #tpu.memory_space<semaphore_mem>>) src(%dma_wait3A_31 : memref<128xi32, #tpu.memory_space<hbm>>) dst(%arg8 : memref<128xi32, #tpu.memory_space<vmem>>)
        tpu.yield
      }) : () -> ()
      "tpu.region"() ({
        %run_scoped3A = tpu.sem_alloc : memref<!tpu.dma_semaphore, #tpu.memory_space<semaphore_mem>>
        %dma_start3A_28 = tpu.memref_slice %arg5[%mul3A_17] : memref<160000xi32, #tpu.memory_space<hbm>> -> memref<128xi32, #tpu.memory_space<hbm>>
        %dma_start3A_29 = tpu.memref_slice %arg5[%mul3A_17] : memref<160000xi32, #tpu.memory_space<hbm>> -> memref<128xi32, #tpu.memory_space<hbm>>
        tpu.enqueue_dma source(%dma_start3A_29 : memref<128xi32, #tpu.memory_space<hbm>>) target(%arg9 : memref<128xi32, #tpu.memory_space<vmem>>) target_semaphore(%run_scoped3A : memref<!tpu.dma_semaphore, #tpu.memory_space<semaphore_mem>>)
        %dma_wait3A_30 = tpu.memref_slice %arg5[%mul3A_17] : memref<160000xi32, #tpu.memory_space<hbm>> -> memref<128xi32, #tpu.memory_space<hbm>>
        %dma_wait3A_31 = tpu.memref_slice %arg5[%mul3A_17] : memref<160000xi32, #tpu.memory_space<hbm>> -> memref<128xi32, #tpu.memory_space<hbm>>
        tpu.wait_dma2 semaphore(%run_scoped3A : memref<!tpu.dma_semaphore, #tpu.memory_space<semaphore_mem>>) src(%dma_wait3A_31 : memref<128xi32, #tpu.memory_space<hbm>>) dst(%arg9 : memref<128xi32, #tpu.memory_space<vmem>>)
        tpu.yield
      }) : () -> ()
      %dma_start3A = arith.constant 0 : i32
      %dma_start3A_18 = arith.constant 0 : i32
      %dma_start3A_19 = tpu.memref_slice %arg2[%dma_start3A, %dma_start3A_18] : memref<10000x112xf32, #tpu.memory_space<hbm>> -> memref<10000x112xf32, #tpu.memory_space<hbm>>
      tpu.enqueue_indirect_dma source(%dma_start3A_19 : memref<10000x112xf32, #tpu.memory_space<hbm>>) target(%arg10 : memref<128x112xf32, #tpu.memory_space<vmem>>) offsets(%arg8 : memref<128xi32, #tpu.memory_space<vmem>>) semaphore(%arg12 : memref<!tpu.dma_semaphore, #tpu.memory_space<semaphore_mem>>)
      %dma_start3A_20 = arith.constant 0 : i32
      %dma_start3A_21 = arith.constant 0 : i32
      %dma_start3A_22 = tpu.memref_slice %arg3[%dma_start3A_20, %dma_start3A_21] : memref<10000x16xf32, #tpu.memory_space<hbm>> -> memref<10000x16xf32, #tpu.memory_space<hbm>>
      tpu.enqueue_indirect_dma source(%dma_start3A_22 : memref<10000x16xf32, #tpu.memory_space<hbm>>) target(%arg11 : memref<128x16xf32, #tpu.memory_space<vmem>>) offsets(%arg9 : memref<128xi32, #tpu.memory_space<vmem>>) semaphore(%arg13 : memref<!tpu.dma_semaphore, #tpu.memory_space<semaphore_mem>>)
      %dma_wait3A = arith.constant 0 : i32
      %dma_wait3A_23 = arith.constant 0 : i32
      %dma_wait3A_24 = tpu.memref_slice %arg2[%dma_wait3A, %dma_wait3A_23] : memref<10000x112xf32, #tpu.memory_space<hbm>> -> memref<10000x112xf32, #tpu.memory_space<hbm>>
      tpu.wait_indirect_dma semaphore(%arg12 : memref<!tpu.dma_semaphore, #tpu.memory_space<semaphore_mem>>) src(%dma_wait3A_24 : memref<10000x112xf32, #tpu.memory_space<hbm>>) dst(%arg10 : memref<128x112xf32, #tpu.memory_space<vmem>>)
      %dma_wait3A_25 = arith.constant 0 : i32
      %dma_wait3A_26 = arith.constant 0 : i32
      %dma_wait3A_27 = tpu.memref_slice %arg3[%dma_wait3A_25, %dma_wait3A_26] : memref<10000x16xf32, #tpu.memory_space<hbm>> -> memref<10000x16xf32, #tpu.memory_space<hbm>>
      tpu.wait_indirect_dma semaphore(%arg13 : memref<!tpu.dma_semaphore, #tpu.memory_space<semaphore_mem>>) src(%dma_wait3A_27 : memref<10000x16xf32, #tpu.memory_space<hbm>>) dst(%arg11 : memref<128x16xf32, #tpu.memory_space<vmem>>)
      "tpu.region"() ({
        %run_scoped3A = tpu.sem_alloc : memref<!tpu.dma_semaphore, #tpu.memory_space<semaphore_mem>>
        %dma_start3A_28 = arith.constant 0 : i32
        %dma_start3A_29 = tpu.memref_slice %arg6[%mul3A_17, %dma_start3A_28] : memref<160000x112xf32, #tpu.memory_space<hbm>> -> memref<128x112xf32, #tpu.memory_space<hbm>>
        %dma_start3A_30 = arith.constant 0 : i32
        %dma_start3A_31 = tpu.memref_slice %arg6[%mul3A_17, %dma_start3A_30] : memref<160000x112xf32, #tpu.memory_space<hbm>> -> memref<128x112xf32, #tpu.memory_space<hbm>>
        tpu.enqueue_dma source(%arg10 : memref<128x112xf32, #tpu.memory_space<vmem>>) target(%dma_start3A_31 : memref<128x112xf32, #tpu.memory_space<hbm>>) target_semaphore(%run_scoped3A : memref<!tpu.dma_semaphore, #tpu.memory_space<semaphore_mem>>)
        %dma_wait3A_32 = arith.constant 0 : i32
        %dma_wait3A_33 = tpu.memref_slice %arg6[%mul3A_17, %dma_wait3A_32] : memref<160000x112xf32, #tpu.memory_space<hbm>> -> memref<128x112xf32, #tpu.memory_space<hbm>>
        %dma_wait3A_34 = arith.constant 0 : i32
        %dma_wait3A_35 = tpu.memref_slice %arg6[%mul3A_17, %dma_wait3A_34] : memref<160000x112xf32, #tpu.memory_space<hbm>> -> memref<128x112xf32, #tpu.memory_space<hbm>>
        tpu.wait_dma2 semaphore(%run_scoped3A : memref<!tpu.dma_semaphore, #tpu.memory_space<semaphore_mem>>) src(%arg10 : memref<128x112xf32, #tpu.memory_space<vmem>>) dst(%dma_wait3A_35 : memref<128x112xf32, #tpu.memory_space<hbm>>)
        tpu.yield
      }) : () -> ()
      "tpu.region"() ({
        %run_scoped3A = tpu.sem_alloc : memref<!tpu.dma_semaphore, #tpu.memory_space<semaphore_mem>>
        %dma_start3A_28 = arith.constant 0 : i32
        %dma_start3A_29 = tpu.memref_slice %arg7[%mul3A_17, %dma_start3A_28] : memref<160000x16xf32, #tpu.memory_space<hbm>> -> memref<128x16xf32, #tpu.memory_space<hbm>>
        %dma_start3A_30 = arith.constant 0 : i32
        %dma_start3A_31 = tpu.memref_slice %arg7[%mul3A_17, %dma_start3A_30] : memref<160000x16xf32, #tpu.memory_space<hbm>> -> memref<128x16xf32, #tpu.memory_space<hbm>>
        tpu.enqueue_dma source(%arg11 : memref<128x16xf32, #tpu.memory_space<vmem>>) target(%dma_start3A_31 : memref<128x16xf32, #tpu.memory_space<hbm>>) target_semaphore(%run_scoped3A : memref<!tpu.dma_semaphore, #tpu.memory_space<semaphore_mem>>)
        %dma_wait3A_32 = arith.constant 0 : i32
        %dma_wait3A_33 = tpu.memref_slice %arg7[%mul3A_17, %dma_wait3A_32] : memref<160000x16xf32, #tpu.memory_space<hbm>> -> memref<128x16xf32, #tpu.memory_space<hbm>>
        %dma_wait3A_34 = arith.constant 0 : i32
        %dma_wait3A_35 = tpu.memref_slice %arg7[%mul3A_17, %dma_wait3A_34] : memref<160000x16xf32, #tpu.memory_space<hbm>> -> memref<128x16xf32, #tpu.memory_space<hbm>>
        tpu.wait_dma2 semaphore(%run_scoped3A : memref<!tpu.dma_semaphore, #tpu.memory_space<semaphore_mem>>) src(%arg11 : memref<128x16xf32, #tpu.memory_space<vmem>>) dst(%dma_wait3A_35 : memref<128x16xf32, #tpu.memory_space<hbm>>)
        tpu.yield
      }) : () -> ()
    }
    %while3A_11 = arith.constant 1 : i32
    scf.for %while3A_12 = %while3A_9 to %while3A_5 step %while3A_11  : i32 {
      %mul3A_13 = arith.constant 32 : i32
      %mul3A_14 = arith.muli %while3A_12, %mul3A_13 : i32
      %add3A_15 = arith.addi %add3A, %mul3A_14 : i32
      %mul3A_16 = arith.constant 128 : i32
      %mul3A_17 = arith.muli %add3A_15, %mul3A_16 : i32
      "tpu.region"() ({
        %run_scoped3A = tpu.sem_alloc : memref<!tpu.dma_semaphore, #tpu.memory_space<semaphore_mem>>
        %dma_start3A_28 = tpu.memref_slice %arg4[%mul3A_17] : memref<160000xi32, #tpu.memory_space<hbm>> -> memref<128xi32, #tpu.memory_space<hbm>>
        %dma_start3A_29 = tpu.memref_slice %arg4[%mul3A_17] : memref<160000xi32, #tpu.memory_space<hbm>> -> memref<128xi32, #tpu.memory_space<hbm>>
        tpu.enqueue_dma source(%dma_start3A_29 : memref<128xi32, #tpu.memory_space<hbm>>) target(%arg8 : memref<128xi32, #tpu.memory_space<vmem>>) target_semaphore(%run_scoped3A : memref<!tpu.dma_semaphore, #tpu.memory_space<semaphore_mem>>)
        %dma_wait3A_30 = tpu.memref_slice %arg4[%mul3A_17] : memref<160000xi32, #tpu.memory_space<hbm>> -> memref<128xi32, #tpu.memory_space<hbm>>
        %dma_wait3A_31 = tpu.memref_slice %arg4[%mul3A_17] : memref<160000xi32, #tpu.memory_space<hbm>> -> memref<128xi32, #tpu.memory_space<hbm>>
        tpu.wait_dma2 semaphore(%run_scoped3A : memref<!tpu.dma_semaphore, #tpu.memory_space<semaphore_mem>>) src(%dma_wait3A_31 : memref<128xi32, #tpu.memory_space<hbm>>) dst(%arg8 : memref<128xi32, #tpu.memory_space<vmem>>)
        tpu.yield
      }) : () -> ()
      "tpu.region"() ({
        %run_scoped3A = tpu.sem_alloc : memref<!tpu.dma_semaphore, #tpu.memory_space<semaphore_mem>>
        %dma_start3A_28 = tpu.memref_slice %arg5[%mul3A_17] : memref<160000xi32, #tpu.memory_space<hbm>> -> memref<128xi32, #tpu.memory_space<hbm>>
        %dma_start3A_29 = tpu.memref_slice %arg5[%mul3A_17] : memref<160000xi32, #tpu.memory_space<hbm>> -> memref<128xi32, #tpu.memory_space<hbm>>
        tpu.enqueue_dma source(%dma_start3A_29 : memref<128xi32, #tpu.memory_space<hbm>>) target(%arg9 : memref<128xi32, #tpu.memory_space<vmem>>) target_semaphore(%run_scoped3A : memref<!tpu.dma_semaphore, #tpu.memory_space<semaphore_mem>>)
        %dma_wait3A_30 = tpu.memref_slice %arg5[%mul3A_17] : memref<160000xi32, #tpu.memory_space<hbm>> -> memref<128xi32, #tpu.memory_space<hbm>>
        %dma_wait3A_31 = tpu.memref_slice %arg5[%mul3A_17] : memref<160000xi32, #tpu.memory_space<hbm>> -> memref<128xi32, #tpu.memory_space<hbm>>
        tpu.wait_dma2 semaphore(%run_scoped3A : memref<!tpu.dma_semaphore, #tpu.memory_space<semaphore_mem>>) src(%dma_wait3A_31 : memref<128xi32, #tpu.memory_space<hbm>>) dst(%arg9 : memref<128xi32, #tpu.memory_space<vmem>>)
        tpu.yield
      }) : () -> ()
      %dma_start3A = arith.constant 0 : i32
      %dma_start3A_18 = arith.constant 0 : i32
      %dma_start3A_19 = tpu.memref_slice %arg2[%dma_start3A, %dma_start3A_18] : memref<10000x112xf32, #tpu.memory_space<hbm>> -> memref<10000x112xf32, #tpu.memory_space<hbm>>
      tpu.enqueue_indirect_dma source(%dma_start3A_19 : memref<10000x112xf32, #tpu.memory_space<hbm>>) target(%arg10 : memref<128x112xf32, #tpu.memory_space<vmem>>) offsets(%arg8 : memref<128xi32, #tpu.memory_space<vmem>>) semaphore(%arg12 : memref<!tpu.dma_semaphore, #tpu.memory_space<semaphore_mem>>)
      %dma_start3A_20 = arith.constant 0 : i32
      %dma_start3A_21 = arith.constant 0 : i32
      %dma_start3A_22 = tpu.memref_slice %arg3[%dma_start3A_20, %dma_start3A_21] : memref<10000x16xf32, #tpu.memory_space<hbm>> -> memref<10000x16xf32, #tpu.memory_space<hbm>>
      tpu.enqueue_indirect_dma source(%dma_start3A_22 : memref<10000x16xf32, #tpu.memory_space<hbm>>) target(%arg11 : memref<128x16xf32, #tpu.memory_space<vmem>>) offsets(%arg9 : memref<128xi32, #tpu.memory_space<vmem>>) semaphore(%arg13 : memref<!tpu.dma_semaphore, #tpu.memory_space<semaphore_mem>>)
      %dma_wait3A = arith.constant 0 : i32
      %dma_wait3A_23 = arith.constant 0 : i32
      %dma_wait3A_24 = tpu.memref_slice %arg2[%dma_wait3A, %dma_wait3A_23] : memref<10000x112xf32, #tpu.memory_space<hbm>> -> memref<10000x112xf32, #tpu.memory_space<hbm>>
      tpu.wait_indirect_dma semaphore(%arg12 : memref<!tpu.dma_semaphore, #tpu.memory_space<semaphore_mem>>) src(%dma_wait3A_24 : memref<10000x112xf32, #tpu.memory_space<hbm>>) dst(%arg10 : memref<128x112xf32, #tpu.memory_space<vmem>>)
      %dma_wait3A_25 = arith.constant 0 : i32
      %dma_wait3A_26 = arith.constant 0 : i32
      %dma_wait3A_27 = tpu.memref_slice %arg3[%dma_wait3A_25, %dma_wait3A_26] : memref<10000x16xf32, #tpu.memory_space<hbm>> -> memref<10000x16xf32, #tpu.memory_space<hbm>>
      tpu.wait_indirect_dma semaphore(%arg13 : memref<!tpu.dma_semaphore, #tpu.memory_space<semaphore_mem>>) src(%dma_wait3A_27 : memref<10000x16xf32, #tpu.memory_space<hbm>>) dst(%arg11 : memref<128x16xf32, #tpu.memory_space<vmem>>)
      "tpu.region"() ({
        %run_scoped3A = tpu.sem_alloc : memref<!tpu.dma_semaphore, #tpu.memory_space<semaphore_mem>>
        %dma_start3A_28 = arith.constant 0 : i32
        %dma_start3A_29 = tpu.memref_slice %arg6[%mul3A_17, %dma_start3A_28] : memref<160000x112xf32, #tpu.memory_space<hbm>> -> memref<128x112xf32, #tpu.memory_space<hbm>>
        %dma_start3A_30 = arith.constant 0 : i32
        %dma_start3A_31 = tpu.memref_slice %arg6[%mul3A_17, %dma_start3A_30] : memref<160000x112xf32, #tpu.memory_space<hbm>> -> memref<128x112xf32, #tpu.memory_space<hbm>>
        tpu.enqueue_dma source(%arg10 : memref<128x112xf32, #tpu.memory_space<vmem>>) target(%dma_start3A_31 : memref<128x112xf32, #tpu.memory_space<hbm>>) target_semaphore(%run_scoped3A : memref<!tpu.dma_semaphore, #tpu.memory_space<semaphore_mem>>)
        %dma_wait3A_32 = arith.constant 0 : i32
        %dma_wait3A_33 = tpu.memref_slice %arg6[%mul3A_17, %dma_wait3A_32] : memref<160000x112xf32, #tpu.memory_space<hbm>> -> memref<128x112xf32, #tpu.memory_space<hbm>>
        %dma_wait3A_34 = arith.constant 0 : i32
        %dma_wait3A_35 = tpu.memref_slice %arg6[%mul3A_17, %dma_wait3A_34] : memref<160000x112xf32, #tpu.memory_space<hbm>> -> memref<128x112xf32, #tpu.memory_space<hbm>>
        tpu.wait_dma2 semaphore(%run_scoped3A : memref<!tpu.dma_semaphore, #tpu.memory_space<semaphore_mem>>) src(%arg10 : memref<128x112xf32, #tpu.memory_space<vmem>>) dst(%dma_wait3A_35 : memref<128x112xf32, #tpu.memory_space<hbm>>)
        tpu.yield
      }) : () -> ()
      "tpu.region"() ({
        %run_scoped3A = tpu.sem_alloc : memref<!tpu.dma_semaphore, #tpu.memory_space<semaphore_mem>>
        %dma_start3A_28 = arith.constant 0 : i32
        %dma_start3A_29 = tpu.memref_slice %arg7[%mul3A_17, %dma_start3A_28] : memref<160000x16xf32, #tpu.memory_space<hbm>> -> memref<128x16xf32, #tpu.memory_space<hbm>>
        %dma_start3A_30 = arith.constant 0 : i32
        %dma_start3A_31 = tpu.memref_slice %arg7[%mul3A_17, %dma_start3A_30] : memref<160000x16xf32, #tpu.memory_space<hbm>> -> memref<128x16xf32, #tpu.memory_space<hbm>>
        tpu.enqueue_dma source(%arg11 : memref<128x16xf32, #tpu.memory_space<vmem>>) target(%dma_start3A_31 : memref<128x16xf32, #tpu.memory_space<hbm>>) target_semaphore(%run_scoped3A : memref<!tpu.dma_semaphore, #tpu.memory_space<semaphore_mem>>)
        %dma_wait3A_32 = arith.constant 0 : i32
        %dma_wait3A_33 = tpu.memref_slice %arg7[%mul3A_17, %dma_wait3A_32] : memref<160000x16xf32, #tpu.memory_space<hbm>> -> memref<128x16xf32, #tpu.memory_space<hbm>>
        %dma_wait3A_34 = arith.constant 0 : i32
        %dma_wait3A_35 = tpu.memref_slice %arg7[%mul3A_17, %dma_wait3A_34] : memref<160000x16xf32, #tpu.memory_space<hbm>> -> memref<128x16xf32, #tpu.memory_space<hbm>>
        tpu.wait_dma2 semaphore(%run_scoped3A : memref<!tpu.dma_semaphore, #tpu.memory_space<semaphore_mem>>) src(%arg11 : memref<128x16xf32, #tpu.memory_space<vmem>>) dst(%dma_wait3A_35 : memref<128x16xf32, #tpu.memory_space<hbm>>)
        tpu.yield
      }) : () -> ()
    }
    return
  }
}

module attributes {stable_mosaic.version = 14 : i64} {
  func.func @_node_body(%arg0: i32, %arg1: memref<1000x96xf32, #tpu.memory_space<vmem>>, %arg2: memref<96x8xf32, #tpu.memory_space<vmem>>, %arg3: memref<96x8xf32, #tpu.memory_space<vmem>>, %arg4: memref<1000x112xf32, #tpu.memory_space<vmem>>, %arg5: memref<1000x16xf32, #tpu.memory_space<vmem>>) attributes {dimension_semantics = [#tpu.dimension_semantics<arbitrary>], iteration_bounds = array<i64: 10>, scalar_prefetch = 0 : i64, scratch_operands = 0 : i64, tpu.core_type = #tpu.core_type<tc>, window_params = [{transform_indices = @transform_0, window_bounds = array<i64: 1000, 96>}, {pipeline_mode = #tpu.pipeline_mode<synchronous>, transform_indices = @transform_1, window_bounds = array<i64: 96, 8>}, {pipeline_mode = #tpu.pipeline_mode<synchronous>, transform_indices = @transform_2, window_bounds = array<i64: 96, 8>}, {transform_indices = @transform_3, window_bounds = array<i64: 1000, 112>}, {transform_indices = @transform_4, window_bounds = array<i64: 1000, 16>}]} {
    %get3A = arith.constant 0 : index
    %get3A_0 = arith.constant 0 : index
    %get3A_1 = vector.load %arg1[%get3A, %get3A_0] : memref<1000x96xf32, #tpu.memory_space<vmem>>, vector<1000x96xf32>
    %get3A_2 = arith.constant 0 : index
    %get3A_3 = arith.constant 0 : index
    %get3A_4 = vector.load %arg2[%get3A_2, %get3A_3] : memref<96x8xf32, #tpu.memory_space<vmem>>, vector<96x8xf32>
    %dot_general3A = arith.constant dense<0.000000e+00> : vector<1000x8xf32>
    %dot_general3A_5 = tpu.matmul %get3A_1, %get3A_4, %dot_general3A {dimension_numbers = #tpu.dot_dimension_numbers<[1], [0], [0], [1], [0, 0, 1, 1], [], []>, precision = #tpu.contract_precision<fp32>, transpose_lhs_hint = false} : vector<1000x96xf32>, vector<96x8xf32>, vector<1000x8xf32> -> vector<1000x8xf32>
    %get3A_6 = arith.constant 0 : index
    %get3A_7 = arith.constant 0 : index
    %get3A_8 = vector.load %arg3[%get3A_6, %get3A_7] : memref<96x8xf32, #tpu.memory_space<vmem>>, vector<96x8xf32>
    %dot_general3A_9 = arith.constant dense<0.000000e+00> : vector<1000x8xf32>
    %dot_general3A_10 = tpu.matmul %get3A_1, %get3A_8, %dot_general3A_9 {dimension_numbers = #tpu.dot_dimension_numbers<[1], [0], [0], [1], [0, 0, 1, 1], [], []>, precision = #tpu.contract_precision<fp32>, transpose_lhs_hint = false} : vector<1000x96xf32>, vector<96x8xf32>, vector<1000x8xf32> -> vector<1000x8xf32>
    %broadcast_in_dim3A = arith.constant 0.000000e+00 : f32
    %broadcast_in_dim3A_11 = vector.broadcast %broadcast_in_dim3A : f32 to vector<1000x8xf32>
    %concatenate3A = tpu.concatenate %get3A_1, %dot_general3A_5, %broadcast_in_dim3A_11 in 1 : vector<1000x96xf32>, vector<1000x8xf32>, vector<1000x8xf32> -> vector<1000x112xf32>
    %swap3A = arith.constant 0 : index
    %swap3A_12 = arith.constant 0 : index
    %swap3A_13 = vector.load %arg4[%swap3A, %swap3A_12] : memref<1000x112xf32, #tpu.memory_space<vmem>>, vector<1000x112xf32>
    tpu.vector_store %arg4[%swap3A, %swap3A_12], %concatenate3A {strides = array<i32>} : memref<1000x112xf32, #tpu.memory_space<vmem>>, vector<1000x112xf32>,
    %broadcast_in_dim3A_14 = arith.constant 0.000000e+00 : f32
    %broadcast_in_dim3A_15 = vector.broadcast %broadcast_in_dim3A_14 : f32 to vector<1000x8xf32>
    %concatenate3A_16 = tpu.concatenate %dot_general3A_10, %broadcast_in_dim3A_15 in 1 : vector<1000x8xf32>, vector<1000x8xf32> -> vector<1000x16xf32>
    %swap3A_17 = arith.constant 0 : index
    %swap3A_18 = arith.constant 0 : index
    %swap3A_19 = vector.load %arg5[%swap3A_17, %swap3A_18] : memref<1000x16xf32, #tpu.memory_space<vmem>>, vector<1000x16xf32>
    tpu.vector_store %arg5[%swap3A_17, %swap3A_18], %concatenate3A_16 {strides = array<i32>} : memref<1000x16xf32, #tpu.memory_space<vmem>>, vector<1000x16xf32>,
    return
  }
  func.func @transform_0(%arg0: i32) -> (i32, i32) {
    %c0_i32 = arith.constant 0 : i32
    %c0_i32_0 = arith.constant 0 : i32
    return %arg0, %c0_i32 : i32, i32
  }
  func.func @transform_1(%arg0: i32) -> (i32, i32) {
    %c0_i32 = arith.constant 0 : i32
    %c0_i32_0 = arith.constant 0 : i32
    %c0_i32_1 = arith.constant 0 : i32
    return %c0_i32, %c0_i32_0 : i32, i32
  }
  func.func @transform_2(%arg0: i32) -> (i32, i32) {
    %c0_i32 = arith.constant 0 : i32
    %c0_i32_0 = arith.constant 0 : i32
    %c0_i32_1 = arith.constant 0 : i32
    return %c0_i32, %c0_i32_0 : i32, i32
  }
  func.func @transform_3(%arg0: i32) -> (i32, i32) {
    %c0_i32 = arith.constant 0 : i32
    %c0_i32_0 = arith.constant 0 : i32
    return %arg0, %c0_i32 : i32, i32
  }
  func.func @transform_4(%arg0: i32) -> (i32, i32) {
    %c0_i32 = arith.constant 0 : i32
    %c0_i32_0 = arith.constant 0 : i32
    return %arg0, %c0_i32 : i32, i32
  }
}

module attributes {stable_mosaic.version = 14 : i64} {
  func.func @_vel_body(%arg0: i32, %arg1: memref<6400x12xf32, #tpu.memory_space<vmem>>, %arg2: memref<6400x12xf32, #tpu.memory_space<vmem>>, %arg3: memref<12x32xf32, #tpu.memory_space<vmem>>, %arg4: memref<1x32xf32, #tpu.memory_space<vmem>>, %arg5: memref<1x32xf32, #tpu.memory_space<vmem>>, %arg6: memref<1x32xf32, #tpu.memory_space<vmem>>, %arg7: memref<32x1xf32, #tpu.memory_space<vmem>>, %arg8: memref<12x32xf32, #tpu.memory_space<vmem>>, %arg9: memref<1x32xf32, #tpu.memory_space<vmem>>, %arg10: memref<1x32xf32, #tpu.memory_space<vmem>>, %arg11: memref<1x32xf32, #tpu.memory_space<vmem>>, %arg12: memref<32x1xf32, #tpu.memory_space<vmem>>, %arg13: memref<5xf32, #tpu.memory_space<smem>>, %arg14: memref<6400x1xf32, #tpu.memory_space<vmem>>) attributes {dimension_semantics = [#tpu.dimension_semantics<arbitrary>], iteration_bounds = array<i64: 200>, scalar_prefetch = 0 : i64, scratch_operands = 0 : i64, tpu.core_type = #tpu.core_type<tc>, window_params = [{transform_indices = @transform_0, window_bounds = array<i64: 6400, 12>}, {transform_indices = @transform_1, window_bounds = array<i64: 6400, 12>}, {pipeline_mode = #tpu.pipeline_mode<synchronous>, transform_indices = @transform_2, window_bounds = array<i64: 12, 32>}, {pipeline_mode = #tpu.pipeline_mode<synchronous>, transform_indices = @transform_3, window_bounds = array<i64: 1, 32>}, {pipeline_mode = #tpu.pipeline_mode<synchronous>, transform_indices = @transform_4, window_bounds = array<i64: 1, 32>}, {pipeline_mode = #tpu.pipeline_mode<synchronous>, transform_indices = @transform_5, window_bounds = array<i64: 1, 32>}, {pipeline_mode = #tpu.pipeline_mode<synchronous>, transform_indices = @transform_6, window_bounds = array<i64: 32, 1>}, {pipeline_mode = #tpu.pipeline_mode<synchronous>, transform_indices = @transform_7, window_bounds = array<i64: 12, 32>}, {pipeline_mode = #tpu.pipeline_mode<synchronous>, transform_indices = @transform_8, window_bounds = array<i64: 1, 32>}, {pipeline_mode = #tpu.pipeline_mode<synchronous>, transform_indices = @transform_9, window_bounds = array<i64: 1, 32>}, {pipeline_mode = #tpu.pipeline_mode<synchronous>, transform_indices = @transform_10, window_bounds = array<i64: 1, 32>}, {pipeline_mode = #tpu.pipeline_mode<synchronous>, transform_indices = @transform_11, window_bounds = array<i64: 32, 1>}, {transform_indices = @transform_12, window_bounds = array<i64: 5>}, {transform_indices = @transform_13, window_bounds = array<i64: 6400, 1>}]} {
    %get3A = arith.constant 0 : index
    %get3A_0 = arith.constant 0 : index
    %get3A_1 = vector.load %arg1[%get3A, %get3A_0] : memref<6400x12xf32, #tpu.memory_space<vmem>>, vector<6400x12xf32>
    %convert_element_type3A = arith.truncf %get3A_1 : vector<6400x12xf32> to vector<6400x12xbf16>
    %get3A_2 = arith.constant 0 : index
    %get3A_3 = arith.constant 0 : index
    %get3A_4 = vector.load %arg3[%get3A_2, %get3A_3] : memref<12x32xf32, #tpu.memory_space<vmem>>, vector<12x32xf32>
    %convert_element_type3A_5 = arith.truncf %get3A_4 : vector<12x32xf32> to vector<12x32xbf16>
    %dot_general3A = arith.constant dense<0.000000e+00> : vector<6400x32xf32>
    %dot_general3A_6 = tpu.matmul %convert_element_type3A, %convert_element_type3A_5, %dot_general3A {dimension_numbers = #tpu.dot_dimension_numbers<[1], [0], [0], [1], [0, 0, 1, 1], [], []>, transpose_lhs_hint = false} : vector<6400x12xbf16>, vector<12x32xbf16>, vector<6400x32xf32> -> vector<6400x32xf32>
    %get3A_7 = arith.constant 0 : index
    %get3A_8 = arith.constant 0 : index
    %get3A_9 = vector.load %arg4[%get3A_7, %get3A_8] : memref<1x32xf32, #tpu.memory_space<vmem>>, vector<1x32xf32>
    %add3A = vector.broadcast %get3A_9 : vector<1x32xf32> to vector<6400x32xf32>
    %add3A_10 = arith.addf %dot_general3A_6, %add3A : vector<6400x32xf32>
    %reduce_sum3A = arith.constant dense<0.000000e+00> : vector<6400xf32>
    %reduce_sum3A_11 = vector.multi_reduction <add>, %add3A_10, %reduce_sum3A [1] : vector<6400x32xf32> to vector<6400xf32>
    %broadcast_in_dim3A = vector.shape_cast %reduce_sum3A_11 : vector<6400xf32> to vector<6400x1xf32>
    %div3A = arith.constant 3.200000e+01 : f32
    %div3A_12 = vector.broadcast %div3A : f32 to vector<6400x1xf32>
    %div3A_13 = arith.divf %broadcast_in_dim3A, %div3A_12 : vector<6400x1xf32>
    %sub3A = vector.broadcast %div3A_13 : vector<6400x1xf32> to vector<6400x32xf32>
    %sub3A_14 = arith.subf %add3A_10, %sub3A : vector<6400x32xf32>
    %mul3A = arith.mulf %sub3A_14, %sub3A_14 : vector<6400x32xf32>
    %reduce_sum3A_15 = arith.constant dense<0.000000e+00> : vector<6400xf32>
    %reduce_sum3A_16 = vector.multi_reduction <add>, %mul3A, %reduce_sum3A_15 [1] : vector<6400x32xf32> to vector<6400xf32>
    %broadcast_in_dim3A_17 = vector.shape_cast %reduce_sum3A_16 : vector<6400xf32> to vector<6400x1xf32>
    %div3A_18 = arith.constant 3.200000e+01 : f32
    %div3A_19 = vector.broadcast %div3A_18 : f32 to vector<6400x1xf32>
    %div3A_20 = arith.divf %broadcast_in_dim3A_17, %div3A_19 : vector<6400x1xf32>
    %add3A_21 = arith.constant 9.99999974E-6 : f32
    %add3A_22 = vector.broadcast %add3A_21 : f32 to vector<6400x1xf32>
    %add3A_23 = arith.addf %div3A_20, %add3A_22 : vector<6400x1xf32>
    %sqrt3A = math.sqrt %add3A_23 : vector<6400x1xf32>
    %div3A_24 = vector.broadcast %sqrt3A : vector<6400x1xf32> to vector<6400x32xf32>
    %div3A_25 = arith.divf %sub3A_14, %div3A_24 : vector<6400x32xf32>
    %get3A_26 = arith.constant 0 : index
    %get3A_27 = arith.constant 0 : index
    %get3A_28 = vector.load %arg5[%get3A_26, %get3A_27] : memref<1x32xf32, #tpu.memory_space<vmem>>, vector<1x32xf32>
    %mul3A_29 = vector.broadcast %get3A_28 : vector<1x32xf32> to vector<6400x32xf32>
    %mul3A_30 = arith.mulf %div3A_25, %mul3A_29 : vector<6400x32xf32>
    %get3A_31 = arith.constant 0 : index
    %get3A_32 = arith.constant 0 : index
    %get3A_33 = vector.load %arg6[%get3A_31, %get3A_32] : memref<1x32xf32, #tpu.memory_space<vmem>>, vector<1x32xf32>
    %add3A_34 = vector.broadcast %get3A_33 : vector<1x32xf32> to vector<6400x32xf32>
    %add3A_35 = arith.addf %mul3A_30, %add3A_34 : vector<6400x32xf32>
    %max3A = arith.constant 0.000000e+00 : f32
    %max3A_36 = vector.broadcast %max3A : f32 to vector<6400x32xf32>
    %max3A_37 = arith.maximumf %add3A_35, %max3A_36 : vector<6400x32xf32>
    %convert_element_type3A_38 = arith.truncf %max3A_37 : vector<6400x32xf32> to vector<6400x32xbf16>
    %convert_element_type3A_39 = arith.extf %convert_element_type3A_38 : vector<6400x32xbf16> to vector<6400x32xf32>
    %get3A_40 = arith.constant 0 : index
    %get3A_41 = arith.constant 0 : index
    %get3A_42 = vector.load %arg7[%get3A_40, %get3A_41] : memref<32x1xf32, #tpu.memory_space<vmem>>, vector<32x1xf32>
    %reshape3A = vector.shape_cast %get3A_42 : vector<32x1xf32> to vector<1x32xf32>
    %convert_element_type3A_43 = arith.truncf %reshape3A : vector<1x32xf32> to vector<1x32xbf16>
    %convert_element_type3A_44 = arith.extf %convert_element_type3A_43 : vector<1x32xbf16> to vector<1x32xf32>
    %mul3A_45 = vector.broadcast %convert_element_type3A_44 : vector<1x32xf32> to vector<6400x32xf32>
    %mul3A_46 = arith.mulf %convert_element_type3A_39, %mul3A_45 : vector<6400x32xf32>
    %reduce_sum3A_47 = arith.constant dense<0.000000e+00> : vector<6400xf32>
    %reduce_sum3A_48 = vector.multi_reduction <add>, %mul3A_46, %reduce_sum3A_47 [1] : vector<6400x32xf32> to vector<6400xf32>
    %broadcast_in_dim3A_49 = vector.shape_cast %reduce_sum3A_48 : vector<6400xf32> to vector<6400x1xf32>
    %get3A_50 = arith.constant 3 : index
    %get3A_51 = memref.load %arg13[%get3A_50] : memref<5xf32, #tpu.memory_space<smem>>
    %add3A_52 = vector.broadcast %get3A_51 : f32 to vector<6400x1xf32>
    %add3A_53 = arith.addf %broadcast_in_dim3A_49, %add3A_52 : vector<6400x1xf32>
    %neg3A = arith.constant 0.000000e+00 : f32
    %neg3A_54 = vector.broadcast %neg3A : f32 to vector<6400x1xf32>
    %neg3A_55 = arith.subf %neg3A_54, %add3A_53 : vector<6400x1xf32>
    %mul3A_56 = arith.constant 1.44269502 : f32
    %mul3A_57 = vector.broadcast %mul3A_56 : f32 to vector<6400x1xf32>
    %mul3A_58 = arith.mulf %neg3A_55, %mul3A_57 : vector<6400x1xf32>
    %round3A = math.roundeven %mul3A_58 : vector<6400x1xf32>
    %mul3A_59 = arith.constant 0.693359375 : f32
    %mul3A_60 = vector.broadcast %mul3A_59 : f32 to vector<6400x1xf32>
    %mul3A_61 = arith.mulf %round3A, %mul3A_60 : vector<6400x1xf32>
    %sub3A_62 = arith.subf %neg3A_55, %mul3A_61 : vector<6400x1xf32>
    %mul3A_63 = arith.constant -2.12194442E-4 : f32
    %mul3A_64 = vector.broadcast %mul3A_63 : f32 to vector<6400x1xf32>
    %mul3A_65 = arith.mulf %round3A, %mul3A_64 : vector<6400x1xf32>
    %sub3A_66 = arith.subf %sub3A_62, %mul3A_65 : vector<6400x1xf32>
    %mul3A_67 = arith.constant 0.00138888892 : f32
    %mul3A_68 = vector.broadcast %mul3A_67 : f32 to vector<6400x1xf32>
    %mul3A_69 = arith.mulf %mul3A_68, %sub3A_66 : vector<6400x1xf32>
    %add3A_70 = arith.constant 0.00833333377 : f32
    %add3A_71 = vector.broadcast %add3A_70 : f32 to vector<6400x1xf32>
    %add3A_72 = arith.addf %mul3A_69, %add3A_71 : vector<6400x1xf32>
    %mul3A_73 = arith.mulf %add3A_72, %sub3A_66 : vector<6400x1xf32>
    %add3A_74 = arith.constant 0.0416666679 : f32
    %add3A_75 = vector.broadcast %add3A_74 : f32 to vector<6400x1xf32>
    %add3A_76 = arith.addf %mul3A_73, %add3A_75 : vector<6400x1xf32>
    %mul3A_77 = arith.mulf %add3A_76, %sub3A_66 : vector<6400x1xf32>
    %add3A_78 = arith.constant 0.166666672 : f32
    %add3A_79 = vector.broadcast %add3A_78 : f32 to vector<6400x1xf32>
    %add3A_80 = arith.addf %mul3A_77, %add3A_79 : vector<6400x1xf32>
    %mul3A_81 = arith.mulf %add3A_80, %sub3A_66 : vector<6400x1xf32>
    %add3A_82 = arith.constant 5.000000e-01 : f32
    %add3A_83 = vector.broadcast %add3A_82 : f32 to vector<6400x1xf32>
    %add3A_84 = arith.addf %mul3A_81, %add3A_83 : vector<6400x1xf32>
    %mul3A_85 = arith.mulf %add3A_84, %sub3A_66 : vector<6400x1xf32>
    %add3A_86 = arith.constant 1.000000e+00 : f32
    %add3A_87 = vector.broadcast %add3A_86 : f32 to vector<6400x1xf32>
    %add3A_88 = arith.addf %mul3A_85, %add3A_87 : vector<6400x1xf32>
    %mul3A_89 = arith.mulf %add3A_88, %sub3A_66 : vector<6400x1xf32>
    %add3A_90 = arith.constant 1.000000e+00 : f32
    %add3A_91 = vector.broadcast %add3A_90 : f32 to vector<6400x1xf32>
    %add3A_92 = arith.addf %mul3A_89, %add3A_91 : vector<6400x1xf32>
    %exp23A = math.exp2 %round3A : vector<6400x1xf32>
    %mul3A_93 = arith.mulf %add3A_92, %exp23A : vector<6400x1xf32>
    %add3A_94 = arith.constant 1.000000e+00 : f32
    %add3A_95 = vector.broadcast %add3A_94 : f32 to vector<6400x1xf32>
    %add3A_96 = arith.addf %add3A_95, %mul3A_93 : vector<6400x1xf32>
    %div3A_97 = arith.constant 1.000000e+00 : f32
    %div3A_98 = vector.broadcast %div3A_97 : f32 to vector<6400x1xf32>
    %div3A_99 = arith.divf %div3A_98, %add3A_96 : vector<6400x1xf32>
    %get3A_100 = arith.constant 0 : index
    %get3A_101 = arith.constant 0 : index
    %get3A_102 = vector.load %arg2[%get3A_100, %get3A_101] : memref<6400x12xf32, #tpu.memory_space<vmem>>, vector<6400x12xf32>
    %convert_element_type3A_103 = arith.truncf %get3A_102 : vector<6400x12xf32> to vector<6400x12xbf16>
    %get3A_104 = arith.constant 0 : index
    %get3A_105 = arith.constant 0 : index
    %get3A_106 = vector.load %arg8[%get3A_104, %get3A_105] : memref<12x32xf32, #tpu.memory_space<vmem>>, vector<12x32xf32>
    %convert_element_type3A_107 = arith.truncf %get3A_106 : vector<12x32xf32> to vector<12x32xbf16>
    %dot_general3A_108 = arith.constant dense<0.000000e+00> : vector<6400x32xf32>
    %dot_general3A_109 = tpu.matmul %convert_element_type3A_103, %convert_element_type3A_107, %dot_general3A_108 {dimension_numbers = #tpu.dot_dimension_numbers<[1], [0], [0], [1], [0, 0, 1, 1], [], []>, transpose_lhs_hint = false} : vector<6400x12xbf16>, vector<12x32xbf16>, vector<6400x32xf32> -> vector<6400x32xf32>
    %get3A_110 = arith.constant 0 : index
    %get3A_111 = arith.constant 0 : index
    %get3A_112 = vector.load %arg9[%get3A_110, %get3A_111] : memref<1x32xf32, #tpu.memory_space<vmem>>, vector<1x32xf32>
    %add3A_113 = vector.broadcast %get3A_112 : vector<1x32xf32> to vector<6400x32xf32>
    %add3A_114 = arith.addf %dot_general3A_109, %add3A_113 : vector<6400x32xf32>
    %reduce_sum3A_115 = arith.constant dense<0.000000e+00> : vector<6400xf32>
    %reduce_sum3A_116 = vector.multi_reduction <add>, %add3A_114, %reduce_sum3A_115 [1] : vector<6400x32xf32> to vector<6400xf32>
    %broadcast_in_dim3A_117 = vector.shape_cast %reduce_sum3A_116 : vector<6400xf32> to vector<6400x1xf32>
    %div3A_118 = arith.constant 3.200000e+01 : f32
    %div3A_119 = vector.broadcast %div3A_118 : f32 to vector<6400x1xf32>
    %div3A_120 = arith.divf %broadcast_in_dim3A_117, %div3A_119 : vector<6400x1xf32>
    %sub3A_121 = vector.broadcast %div3A_120 : vector<6400x1xf32> to vector<6400x32xf32>
    %sub3A_122 = arith.subf %add3A_114, %sub3A_121 : vector<6400x32xf32>
    %mul3A_123 = arith.mulf %sub3A_122, %sub3A_122 : vector<6400x32xf32>
    %reduce_sum3A_124 = arith.constant dense<0.000000e+00> : vector<6400xf32>
    %reduce_sum3A_125 = vector.multi_reduction <add>, %mul3A_123, %reduce_sum3A_124 [1] : vector<6400x32xf32> to vector<6400xf32>
    %broadcast_in_dim3A_126 = vector.shape_cast %reduce_sum3A_125 : vector<6400xf32> to vector<6400x1xf32>
    %div3A_127 = arith.constant 3.200000e+01 : f32
    %div3A_128 = vector.broadcast %div3A_127 : f32 to vector<6400x1xf32>
    %div3A_129 = arith.divf %broadcast_in_dim3A_126, %div3A_128 : vector<6400x1xf32>
    %add3A_130 = arith.constant 9.99999974E-6 : f32
    %add3A_131 = vector.broadcast %add3A_130 : f32 to vector<6400x1xf32>
    %add3A_132 = arith.addf %div3A_129, %add3A_131 : vector<6400x1xf32>
    %sqrt3A_133 = math.sqrt %add3A_132 : vector<6400x1xf32>
    %div3A_134 = vector.broadcast %sqrt3A_133 : vector<6400x1xf32> to vector<6400x32xf32>
    %div3A_135 = arith.divf %sub3A_122, %div3A_134 : vector<6400x32xf32>
    %get3A_136 = arith.constant 0 : index
    %get3A_137 = arith.constant 0 : index
    %get3A_138 = vector.load %arg10[%get3A_136, %get3A_137] : memref<1x32xf32, #tpu.memory_space<vmem>>, vector<1x32xf32>
    %mul3A_139 = vector.broadcast %get3A_138 : vector<1x32xf32> to vector<6400x32xf32>
    %mul3A_140 = arith.mulf %div3A_135, %mul3A_139 : vector<6400x32xf32>
    %get3A_141 = arith.constant 0 : index
    %get3A_142 = arith.constant 0 : index
    %get3A_143 = vector.load %arg11[%get3A_141, %get3A_142] : memref<1x32xf32, #tpu.memory_space<vmem>>, vector<1x32xf32>
    %add3A_144 = vector.broadcast %get3A_143 : vector<1x32xf32> to vector<6400x32xf32>
    %add3A_145 = arith.addf %mul3A_140, %add3A_144 : vector<6400x32xf32>
    %max3A_146 = arith.constant 0.000000e+00 : f32
    %max3A_147 = vector.broadcast %max3A_146 : f32 to vector<6400x32xf32>
    %max3A_148 = arith.maximumf %add3A_145, %max3A_147 : vector<6400x32xf32>
    %convert_element_type3A_149 = arith.truncf %max3A_148 : vector<6400x32xf32> to vector<6400x32xbf16>
    %convert_element_type3A_150 = arith.extf %convert_element_type3A_149 : vector<6400x32xbf16> to vector<6400x32xf32>
    %get3A_151 = arith.constant 0 : index
    %get3A_152 = arith.constant 0 : index
    %get3A_153 = vector.load %arg12[%get3A_151, %get3A_152] : memref<32x1xf32, #tpu.memory_space<vmem>>, vector<32x1xf32>
    %reshape3A_154 = vector.shape_cast %get3A_153 : vector<32x1xf32> to vector<1x32xf32>
    %convert_element_type3A_155 = arith.truncf %reshape3A_154 : vector<1x32xf32> to vector<1x32xbf16>
    %convert_element_type3A_156 = arith.extf %convert_element_type3A_155 : vector<1x32xbf16> to vector<1x32xf32>
    %mul3A_157 = vector.broadcast %convert_element_type3A_156 : vector<1x32xf32> to vector<6400x32xf32>
    %mul3A_158 = arith.mulf %convert_element_type3A_150, %mul3A_157 : vector<6400x32xf32>
    %reduce_sum3A_159 = arith.constant dense<0.000000e+00> : vector<6400xf32>
    %reduce_sum3A_160 = vector.multi_reduction <add>, %mul3A_158, %reduce_sum3A_159 [1] : vector<6400x32xf32> to vector<6400xf32>
    %broadcast_in_dim3A_161 = vector.shape_cast %reduce_sum3A_160 : vector<6400xf32> to vector<6400x1xf32>
    %get3A_162 = arith.constant 4 : index
    %get3A_163 = memref.load %arg13[%get3A_162] : memref<5xf32, #tpu.memory_space<smem>>
    %add3A_164 = vector.broadcast %get3A_163 : f32 to vector<6400x1xf32>
    %add3A_165 = arith.addf %broadcast_in_dim3A_161, %add3A_164 : vector<6400x1xf32>
    %neg3A_166 = arith.constant 0.000000e+00 : f32
    %neg3A_167 = vector.broadcast %neg3A_166 : f32 to vector<6400x1xf32>
    %neg3A_168 = arith.subf %neg3A_167, %add3A_165 : vector<6400x1xf32>
    %mul3A_169 = arith.constant 1.44269502 : f32
    %mul3A_170 = vector.broadcast %mul3A_169 : f32 to vector<6400x1xf32>
    %mul3A_171 = arith.mulf %neg3A_168, %mul3A_170 : vector<6400x1xf32>
    %round3A_172 = math.roundeven %mul3A_171 : vector<6400x1xf32>
    %mul3A_173 = arith.constant 0.693359375 : f32
    %mul3A_174 = vector.broadcast %mul3A_173 : f32 to vector<6400x1xf32>
    %mul3A_175 = arith.mulf %round3A_172, %mul3A_174 : vector<6400x1xf32>
    %sub3A_176 = arith.subf %neg3A_168, %mul3A_175 : vector<6400x1xf32>
    %mul3A_177 = arith.constant -2.12194442E-4 : f32
    %mul3A_178 = vector.broadcast %mul3A_177 : f32 to vector<6400x1xf32>
    %mul3A_179 = arith.mulf %round3A_172, %mul3A_178 : vector<6400x1xf32>
    %sub3A_180 = arith.subf %sub3A_176, %mul3A_179 : vector<6400x1xf32>
    %mul3A_181 = arith.constant 0.00138888892 : f32
    %mul3A_182 = vector.broadcast %mul3A_181 : f32 to vector<6400x1xf32>
    %mul3A_183 = arith.mulf %mul3A_182, %sub3A_180 : vector<6400x1xf32>
    %add3A_184 = arith.constant 0.00833333377 : f32
    %add3A_185 = vector.broadcast %add3A_184 : f32 to vector<6400x1xf32>
    %add3A_186 = arith.addf %mul3A_183, %add3A_185 : vector<6400x1xf32>
    %mul3A_187 = arith.mulf %add3A_186, %sub3A_180 : vector<6400x1xf32>
    %add3A_188 = arith.constant 0.0416666679 : f32
    %add3A_189 = vector.broadcast %add3A_188 : f32 to vector<6400x1xf32>
    %add3A_190 = arith.addf %mul3A_187, %add3A_189 : vector<6400x1xf32>
    %mul3A_191 = arith.mulf %add3A_190, %sub3A_180 : vector<6400x1xf32>
    %add3A_192 = arith.constant 0.166666672 : f32
    %add3A_193 = vector.broadcast %add3A_192 : f32 to vector<6400x1xf32>
    %add3A_194 = arith.addf %mul3A_191, %add3A_193 : vector<6400x1xf32>
    %mul3A_195 = arith.mulf %add3A_194, %sub3A_180 : vector<6400x1xf32>
    %add3A_196 = arith.constant 5.000000e-01 : f32
    %add3A_197 = vector.broadcast %add3A_196 : f32 to vector<6400x1xf32>
    %add3A_198 = arith.addf %mul3A_195, %add3A_197 : vector<6400x1xf32>
    %mul3A_199 = arith.mulf %add3A_198, %sub3A_180 : vector<6400x1xf32>
    %add3A_200 = arith.constant 1.000000e+00 : f32
    %add3A_201 = vector.broadcast %add3A_200 : f32 to vector<6400x1xf32>
    %add3A_202 = arith.addf %mul3A_199, %add3A_201 : vector<6400x1xf32>
    %mul3A_203 = arith.mulf %add3A_202, %sub3A_180 : vector<6400x1xf32>
    %add3A_204 = arith.constant 1.000000e+00 : f32
    %add3A_205 = vector.broadcast %add3A_204 : f32 to vector<6400x1xf32>
    %add3A_206 = arith.addf %mul3A_203, %add3A_205 : vector<6400x1xf32>
    %exp23A_207 = math.exp2 %round3A_172 : vector<6400x1xf32>
    %mul3A_208 = arith.mulf %add3A_206, %exp23A_207 : vector<6400x1xf32>
    %add3A_209 = arith.constant 1.000000e+00 : f32
    %add3A_210 = vector.broadcast %add3A_209 : f32 to vector<6400x1xf32>
    %add3A_211 = arith.addf %add3A_210, %mul3A_208 : vector<6400x1xf32>
    %div3A_212 = arith.constant 1.000000e+00 : f32
    %div3A_213 = vector.broadcast %div3A_212 : f32 to vector<6400x1xf32>
    %div3A_214 = arith.divf %div3A_213, %add3A_211 : vector<6400x1xf32>
    %get3A_215 = arith.constant 0 : index
    %get3A_216 = memref.load %arg13[%get3A_215] : memref<5xf32, #tpu.memory_space<smem>>
    %convert_element_type3A_217 = arith.truncf %get3A_216 : f32 to bf16
    %convert_element_type3A_218 = arith.extf %convert_element_type3A_217 : bf16 to f32
    %get3A_219 = arith.constant 1 : index
    %get3A_220 = memref.load %arg13[%get3A_219] : memref<5xf32, #tpu.memory_space<smem>>
    %convert_element_type3A_221 = arith.truncf %get3A_220 : f32 to bf16
    %convert_element_type3A_222 = arith.extf %convert_element_type3A_221 : bf16 to f32
    %convert_element_type3A_223 = arith.truncf %div3A_99 : vector<6400x1xf32> to vector<6400x1xbf16>
    %convert_element_type3A_224 = arith.extf %convert_element_type3A_223 : vector<6400x1xbf16> to vector<6400x1xf32>
    %mul3A_225 = vector.broadcast %convert_element_type3A_218 : f32 to vector<6400x1xf32>
    %mul3A_226 = arith.mulf %mul3A_225, %convert_element_type3A_224 : vector<6400x1xf32>
    %convert_element_type3A_227 = arith.truncf %div3A_214 : vector<6400x1xf32> to vector<6400x1xbf16>
    %convert_element_type3A_228 = arith.extf %convert_element_type3A_227 : vector<6400x1xbf16> to vector<6400x1xf32>
    %mul3A_229 = vector.broadcast %convert_element_type3A_222 : f32 to vector<6400x1xf32>
    %mul3A_230 = arith.mulf %mul3A_229, %convert_element_type3A_228 : vector<6400x1xf32>
    %add3A_231 = arith.addf %mul3A_226, %mul3A_230 : vector<6400x1xf32>
    %get3A_232 = arith.constant 2 : index
    %get3A_233 = memref.load %arg13[%get3A_232] : memref<5xf32, #tpu.memory_space<smem>>
    %add3A_234 = vector.broadcast %get3A_233 : f32 to vector<6400x1xf32>
    %add3A_235 = arith.addf %add3A_231, %add3A_234 : vector<6400x1xf32>
    %swap3A = arith.constant 0 : index
    %swap3A_236 = arith.constant 0 : index
    %swap3A_237 = vector.load %arg14[%swap3A, %swap3A_236] : memref<6400x1xf32, #tpu.memory_space<vmem>>, vector<6400x1xf32>
    tpu.vector_store %arg14[%swap3A, %swap3A_236], %add3A_235 {strides = array<i32>} : memref<6400x1xf32, #tpu.memory_space<vmem>>, vector<6400x1xf32>,
    return
  }
  func.func @transform_0(%arg0: i32) -> (i32, i32) {
    %c0_i32 = arith.constant 0 : i32
    %c0_i32_0 = arith.constant 0 : i32
    return %arg0, %c0_i32 : i32, i32
  }
  func.func @transform_1(%arg0: i32) -> (i32, i32) {
    %c0_i32 = arith.constant 0 : i32
    %c0_i32_0 = arith.constant 0 : i32
    return %arg0, %c0_i32 : i32, i32
  }
  func.func @transform_2(%arg0: i32) -> (i32, i32) {
    %c0_i32 = arith.constant 0 : i32
    %c0_i32_0 = arith.constant 0 : i32
    %c0_i32_1 = arith.constant 0 : i32
    return %c0_i32, %c0_i32_0 : i32, i32
  }
  func.func @transform_3(%arg0: i32) -> (i32, i32) {
    %c0_i32 = arith.constant 0 : i32
    %c0_i32_0 = arith.constant 0 : i32
    %c0_i32_1 = arith.constant 0 : i32
    return %c0_i32, %c0_i32_0 : i32, i32
  }
  func.func @transform_4(%arg0: i32) -> (i32, i32) {
    %c0_i32 = arith.constant 0 : i32
    %c0_i32_0 = arith.constant 0 : i32
    %c0_i32_1 = arith.constant 0 : i32
    return %c0_i32, %c0_i32_0 : i32, i32
  }
  func.func @transform_5(%arg0: i32) -> (i32, i32) {
    %c0_i32 = arith.constant 0 : i32
    %c0_i32_0 = arith.constant 0 : i32
    %c0_i32_1 = arith.constant 0 : i32
    return %c0_i32, %c0_i32_0 : i32, i32
  }
  func.func @transform_6(%arg0: i32) -> (i32, i32) {
    %c0_i32 = arith.constant 0 : i32
    %c0_i32_0 = arith.constant 0 : i32
    %c0_i32_1 = arith.constant 0 : i32
    return %c0_i32, %c0_i32_0 : i32, i32
  }
  func.func @transform_7(%arg0: i32) -> (i32, i32) {
    %c0_i32 = arith.constant 0 : i32
    %c0_i32_0 = arith.constant 0 : i32
    %c0_i32_1 = arith.constant 0 : i32
    return %c0_i32, %c0_i32_0 : i32, i32
  }
  func.func @transform_8(%arg0: i32) -> (i32, i32) {
    %c0_i32 = arith.constant 0 : i32
    %c0_i32_0 = arith.constant 0 : i32
    %c0_i32_1 = arith.constant 0 : i32
    return %c0_i32, %c0_i32_0 : i32, i32
  }
  func.func @transform_9(%arg0: i32) -> (i32, i32) {
    %c0_i32 = arith.constant 0 : i32
    %c0_i32_0 = arith.constant 0 : i32
    %c0_i32_1 = arith.constant 0 : i32
    return %c0_i32, %c0_i32_0 : i32, i32
  }
  func.func @transform_10(%arg0: i32) -> (i32, i32) {
    %c0_i32 = arith.constant 0 : i32
    %c0_i32_0 = arith.constant 0 : i32
    %c0_i32_1 = arith.constant 0 : i32
    return %c0_i32, %c0_i32_0 : i32, i32
  }
  func.func @transform_11(%arg0: i32) -> (i32, i32) {
    %c0_i32 = arith.constant 0 : i32
    %c0_i32_0 = arith.constant 0 : i32
    %c0_i32_1 = arith.constant 0 : i32
    return %c0_i32, %c0_i32_0 : i32, i32
  }
  func.func @transform_12(%arg0: i32) -> i32 {
    %c0_i32 = arith.constant 0 : i32
    %c0_i32_0 = arith.constant 0 : i32
    return %c0_i32 : i32
  }
  func.func @transform_13(%arg0: i32) -> (i32, i32) {
    %c0_i32 = arith.constant 0 : i32
    %c0_i32_0 = arith.constant 0 : i32
    return %arg0, %c0_i32 : i32, i32
  }
}

module attributes {stable_mosaic.version = 14 : i64} {
  func.func @_edge_body(%arg0: i32, %arg1: memref<1000x112xf32, #tpu.memory_space<vmem>>, %arg2: memref<1000x16xf32, #tpu.memory_space<vmem>>, %arg3: memref<1000x8xf32, #tpu.memory_space<vmem>>, %arg4: memref<1000x1xf32, #tpu.memory_space<vmem>>, %arg5: memref<1000x1xf32, #tpu.memory_space<vmem>>, %arg6: memref<8x96xf32, #tpu.memory_space<vmem>>, %arg7: memref<1000x16xf32, #tpu.memory_space<vmem>>) attributes {dimension_semantics = [#tpu.dimension_semantics<arbitrary>], iteration_bounds = array<i64: 160>, scalar_prefetch = 0 : i64, scratch_operands = 0 : i64, tpu.core_type = #tpu.core_type<tc>, window_params = [{transform_indices = @transform_0, window_bounds = array<i64: 1000, 112>}, {transform_indices = @transform_1, window_bounds = array<i64: 1000, 16>}, {transform_indices = @transform_2, window_bounds = array<i64: 1000, 8>}, {transform_indices = @transform_3, window_bounds = array<i64: 1000, 1>}, {transform_indices = @transform_4, window_bounds = array<i64: 1000, 1>}, {pipeline_mode = #tpu.pipeline_mode<synchronous>, transform_indices = @transform_5, window_bounds = array<i64: 8, 96>}, {transform_indices = @transform_6, window_bounds = array<i64: 1000, 16>}]} {
    %get3A = arith.constant 0 : index
    %get3A_0 = arith.constant 0 : index
    %get3A_1 = vector.load %arg1[%get3A, %get3A_0] : memref<1000x112xf32, #tpu.memory_space<vmem>>, vector<1000x112xf32>
    %slice3A = vector.extract_strided_slice %get3A_1 {offsets = [0, 0], sizes = [1000, 96], strides = [1, 1]} : vector<1000x112xf32> to vector<1000x96xf32>
    %slice3A_2 = vector.extract_strided_slice %get3A_1 {offsets = [0, 96], sizes = [1000, 8], strides = [1, 1]} : vector<1000x112xf32> to vector<1000x8xf32>
    %get3A_3 = arith.constant 0 : index
    %get3A_4 = arith.constant 0 : index
    %get3A_5 = vector.load %arg2[%get3A_3, %get3A_4] : memref<1000x16xf32, #tpu.memory_space<vmem>>, vector<1000x16xf32>
    %slice3A_6 = vector.extract_strided_slice %get3A_5 {offsets = [0, 0], sizes = [1000, 8], strides = [1, 1]} : vector<1000x16xf32> to vector<1000x8xf32>
    %add3A = arith.addf %slice3A_2, %slice3A_6 : vector<1000x8xf32>
    %gt3A = arith.constant 0.000000e+00 : f32
    %gt3A_7 = vector.broadcast %gt3A : f32 to vector<1000x8xf32>
    %gt3A_8 = arith.cmpf ogt, %add3A, %gt3A_7 : vector<1000x8xf32>
    %mul3A = arith.constant 0.00999999977 : f32
    %mul3A_9 = vector.broadcast %mul3A : f32 to vector<1000x8xf32>
    %mul3A_10 = arith.mulf %mul3A_9, %add3A : vector<1000x8xf32>
    %select_n3A = arith.select %gt3A_8, %add3A, %mul3A_10 : vector<1000x8xi1>, vector<1000x8xf32>
    %exp3A = math.exp %select_n3A : vector<1000x8xf32>
    %get3A_11 = arith.constant 0 : index
    %get3A_12 = arith.constant 0 : index
    %get3A_13 = vector.load %arg3[%get3A_11, %get3A_12] : memref<1000x8xf32, #tpu.memory_space<vmem>>, vector<1000x8xf32>
    %get3A_14 = arith.constant 0 : index
    %get3A_15 = arith.constant 0 : index
    %get3A_16 = vector.load %arg4[%get3A_14, %get3A_15] : memref<1000x1xf32, #tpu.memory_space<vmem>>, vector<1000x1xf32>
    %add3A_17 = arith.constant 9.99999974E-6 : f32
    %add3A_18 = vector.broadcast %add3A_17 : f32 to vector<1000x8xf32>
    %add3A_19 = arith.addf %get3A_13, %add3A_18 : vector<1000x8xf32>
    %div3A = vector.broadcast %get3A_16 : vector<1000x1xf32> to vector<1000x8xf32>
    %div3A_20 = arith.divf %div3A, %add3A_19 : vector<1000x8xf32>
    %div3A_21 = arith.constant 1.000000e+01 : f32
    %div3A_22 = vector.broadcast %div3A_21 : f32 to vector<1000x8xf32>
    %div3A_23 = arith.divf %div3A_20, %div3A_22 : vector<1000x8xf32>
    %round3A = math.roundeven %div3A_23 : vector<1000x8xf32>
    %lt3A = arith.constant 0.000000e+00 : f32
    %lt3A_24 = vector.broadcast %lt3A : f32 to vector<1000x8xf32>
    %lt3A_25 = arith.cmpf olt, %round3A, %lt3A_24 : vector<1000x8xf32>
    %jit3A = arith.constant 0.000000e+00 : f32
    %broadcast_in_dim3A = vector.broadcast %jit3A : f32 to vector<1000x8xf32>
    %select_n3A_26 = arith.select %lt3A_25, %broadcast_in_dim3A, %round3A : vector<1000x8xi1>, vector<1000x8xf32>
    %gt3A_27 = arith.constant 1.200000e+01 : f32
    %gt3A_28 = vector.broadcast %gt3A_27 : f32 to vector<1000x8xf32>
    %gt3A_29 = arith.cmpf ogt, %select_n3A_26, %gt3A_28 : vector<1000x8xf32>
    %jit3A_30 = arith.constant 1.100000e+01 : f32
    %broadcast_in_dim3A_31 = vector.broadcast %jit3A_30 : f32 to vector<1000x8xf32>
    %select_n3A_32 = arith.select %gt3A_29, %broadcast_in_dim3A_31, %select_n3A_26 : vector<1000x8xi1>, vector<1000x8xf32>
    %get3A_33 = arith.constant 0 : index
    %get3A_34 = arith.constant 0 : index
    %get3A_35 = vector.load %arg5[%get3A_33, %get3A_34] : memref<1000x1xf32, #tpu.memory_space<vmem>>, vector<1000x1xf32>
    %mul3A_36 = vector.broadcast %get3A_35 : vector<1000x1xf32> to vector<1000x8xf32>
    %mul3A_37 = arith.mulf %mul3A_36, %div3A_20 : vector<1000x8xf32>
    %add3A_38 = arith.constant 1.000000e+00 : f32
    %add3A_39 = vector.broadcast %add3A_38 : f32 to vector<1000x8xf32>
    %add3A_40 = arith.addf %add3A_39, %mul3A_37 : vector<1000x8xf32>
    %div3A_41 = arith.constant 1.000000e+00 : f32
    %div3A_42 = vector.broadcast %div3A_41 : f32 to vector<1000x8xf32>
    %div3A_43 = arith.divf %div3A_42, %add3A_40 : vector<1000x8xf32>
    %sub3A = arith.constant 1.200000e+01 : f32
    %sub3A_44 = vector.broadcast %sub3A : f32 to vector<1000x8xf32>
    %sub3A_45 = arith.subf %sub3A_44, %select_n3A_32 : vector<1000x8xf32>
    %max3A = arith.constant 1.000000e+00 : f32
    %max3A_46 = vector.broadcast %max3A : f32 to vector<1000x8xf32>
    %max3A_47 = arith.maximumf %sub3A_45, %max3A_46 : vector<1000x8xf32>
    %get3A_48 = arith.constant 0 : index
    %get3A_49 = arith.constant 0 : index
    %get3A_50 = vector.load %arg6[%get3A_48, %get3A_49] : memref<8x96xf32, #tpu.memory_space<vmem>>, vector<8x96xf32>
    %dot_general3A = arith.constant dense<0.000000e+00> : vector<1000x96xf32>
    %dot_general3A_51 = tpu.matmul %div3A_43, %get3A_50, %dot_general3A {dimension_numbers = #tpu.dot_dimension_numbers<[1], [0], [0], [1], [0, 0, 1, 1], [], []>, precision = #tpu.contract_precision<fp32>, transpose_lhs_hint = false} : vector<1000x8xf32>, vector<8x96xf32>, vector<1000x96xf32> -> vector<1000x96xf32>
    %dot_general3A_52 = arith.constant dense<0.000000e+00> : vector<1000x96xf32>
    %dot_general3A_53 = tpu.matmul %max3A_47, %get3A_50, %dot_general3A_52 {dimension_numbers = #tpu.dot_dimension_numbers<[1], [0], [0], [1], [0, 0, 1, 1], [], []>, precision = #tpu.contract_precision<fp32>, transpose_lhs_hint = false} : vector<1000x8xf32>, vector<8x96xf32>, vector<1000x96xf32> -> vector<1000x96xf32>
    %iota3A = tpu.iota {dimensions = array<i32: 1>} : vector<1000x96xi32>
    %jit3A_54 = arith.constant 12 : i32
    %eq3A = arith.constant 0 : i32
    %eq3A_55 = arith.cmpi eq, %jit3A_54, %eq3A : i32
    %jit3A_56 = arith.constant 1 : i32
    %select_n3A_57 = arith.select %eq3A_55, %jit3A_56, %jit3A_54 : i32
    %rem3A = vector.broadcast %select_n3A_57 : i32 to vector<1000x96xi32>
    %rem3A_58 = arith.remsi %iota3A, %rem3A : vector<1000x96xi32>
    %ne3A = arith.constant 0 : i32
    %ne3A_59 = vector.broadcast %ne3A : i32 to vector<1000x96xi32>
    %ne3A_60 = arith.cmpi ne, %rem3A_58, %ne3A_59 : vector<1000x96xi32>
    %lt3A_61 = arith.constant 0 : i32
    %lt3A_62 = vector.broadcast %lt3A_61 : i32 to vector<1000x96xi32>
    %lt3A_63 = arith.cmpi slt, %rem3A_58, %lt3A_62 : vector<1000x96xi32>
    %lt3A_64 = arith.constant 0 : i32
    %lt3A_65 = arith.cmpi slt, %select_n3A_57, %lt3A_64 : i32
    %ne3A_66 = vector.broadcast %lt3A_65 : i1 to vector<1000x96xi1>
    %ne3A_67 = vector.broadcast %ne3A_66 : vector<1000x96xi1> to vector<1000x96xi1>
    %ne3A_68 = arith.xori %lt3A_63, %ne3A_67 : vector<1000x96xi1>
    %and3A = arith.andi %ne3A_68, %ne3A_60 : vector<1000x96xi1>
    %add3A_69 = vector.broadcast %select_n3A_57 : i32 to vector<1000x96xi32>
    %add3A_70 = arith.addi %rem3A_58, %add3A_69 : vector<1000x96xi32>
    %select_n3A_71 = arith.select %and3A, %add3A_70, %rem3A_58 : vector<1000x96xi1>, vector<1000x96xi32>
    %convert_element_type3A = arith.sitofp %select_n3A_71 : vector<1000x96xi32> to vector<1000x96xf32>
    %lt3A_72 = arith.cmpf olt, %convert_element_type3A, %dot_general3A_53 : vector<1000x96xf32>
    %sub3A_73 = arith.constant 1.000000e+00 : f32
    %sub3A_74 = vector.broadcast %sub3A_73 : f32 to vector<1000x96xf32>
    %sub3A_75 = arith.subf %dot_general3A_53, %sub3A_74 : vector<1000x96xf32>
    %sub3A_76 = arith.subf %sub3A_75, %convert_element_type3A : vector<1000x96xf32>
    %convert_element_type3A_77 = arith.fptosi %sub3A_76 : vector<1000x96xf32> to vector<1000x96xi32>
    %max3A_78 = arith.constant 0 : i32
    %max3A_79 = vector.broadcast %max3A_78 : i32 to vector<1000x96xi32>
    %max3A_80 = arith.maxsi %convert_element_type3A_77, %max3A_79 : vector<1000x96xi32>
    %sub3A_81 = arith.constant 1.000000e+00 : f32
    %sub3A_82 = vector.broadcast %sub3A_81 : f32 to vector<1000x96xf32>
    %sub3A_83 = arith.subf %sub3A_82, %dot_general3A_51 : vector<1000x96xf32>
    %broadcast_in_dim3A_84 = arith.constant 1.000000e+00 : f32
    %broadcast_in_dim3A_85 = vector.broadcast %broadcast_in_dim3A_84 : f32 to vector<1000x96xf32>
    %shift_right_arithmetic3A = arith.constant 0 : i32
    %shift_right_arithmetic3A_86 = vector.broadcast %shift_right_arithmetic3A : i32 to vector<1000x96xi32>
    %shift_right_arithmetic3A_87 = arith.shrsi %max3A_80, %shift_right_arithmetic3A_86 : vector<1000x96xi32>
    %and3A_88 = arith.constant 1 : i32
    %and3A_89 = vector.broadcast %and3A_88 : i32 to vector<1000x96xi32>
    %and3A_90 = arith.andi %shift_right_arithmetic3A_87, %and3A_89 : vector<1000x96xi32>
    %eq3A_91 = arith.constant 1 : i32
    %eq3A_92 = vector.broadcast %eq3A_91 : i32 to vector<1000x96xi32>
    %eq3A_93 = arith.cmpi eq, %and3A_90, %eq3A_92 : vector<1000x96xi32>
    %mul3A_94 = arith.mulf %broadcast_in_dim3A_85, %sub3A_83 : vector<1000x96xf32>
    %select_n3A_95 = arith.select %eq3A_93, %mul3A_94, %broadcast_in_dim3A_85 : vector<1000x96xi1>, vector<1000x96xf32>
    %mul3A_96 = arith.mulf %sub3A_83, %sub3A_83 : vector<1000x96xf32>
    %shift_right_arithmetic3A_97 = arith.constant 1 : i32
    %shift_right_arithmetic3A_98 = vector.broadcast %shift_right_arithmetic3A_97 : i32 to vector<1000x96xi32>
    %shift_right_arithmetic3A_99 = arith.shrsi %max3A_80, %shift_right_arithmetic3A_98 : vector<1000x96xi32>
    %and3A_100 = arith.constant 1 : i32
    %and3A_101 = vector.broadcast %and3A_100 : i32 to vector<1000x96xi32>
    %and3A_102 = arith.andi %shift_right_arithmetic3A_99, %and3A_101 : vector<1000x96xi32>
    %eq3A_103 = arith.constant 1 : i32
    %eq3A_104 = vector.broadcast %eq3A_103 : i32 to vector<1000x96xi32>
    %eq3A_105 = arith.cmpi eq, %and3A_102, %eq3A_104 : vector<1000x96xi32>
    %mul3A_106 = arith.mulf %select_n3A_95, %mul3A_96 : vector<1000x96xf32>
    %select_n3A_107 = arith.select %eq3A_105, %mul3A_106, %select_n3A_95 : vector<1000x96xi1>, vector<1000x96xf32>
    %mul3A_108 = arith.mulf %mul3A_96, %mul3A_96 : vector<1000x96xf32>
    %shift_right_arithmetic3A_109 = arith.constant 2 : i32
    %shift_right_arithmetic3A_110 = vector.broadcast %shift_right_arithmetic3A_109 : i32 to vector<1000x96xi32>
    %shift_right_arithmetic3A_111 = arith.shrsi %max3A_80, %shift_right_arithmetic3A_110 : vector<1000x96xi32>
    %and3A_112 = arith.constant 1 : i32
    %and3A_113 = vector.broadcast %and3A_112 : i32 to vector<1000x96xi32>
    %and3A_114 = arith.andi %shift_right_arithmetic3A_111, %and3A_113 : vector<1000x96xi32>
    %eq3A_115 = arith.constant 1 : i32
    %eq3A_116 = vector.broadcast %eq3A_115 : i32 to vector<1000x96xi32>
    %eq3A_117 = arith.cmpi eq, %and3A_114, %eq3A_116 : vector<1000x96xi32>
    %mul3A_118 = arith.mulf %select_n3A_107, %mul3A_108 : vector<1000x96xf32>
    %select_n3A_119 = arith.select %eq3A_117, %mul3A_118, %select_n3A_107 : vector<1000x96xi1>, vector<1000x96xf32>
    %mul3A_120 = arith.mulf %mul3A_108, %mul3A_108 : vector<1000x96xf32>
    %shift_right_arithmetic3A_121 = arith.constant 3 : i32
    %shift_right_arithmetic3A_122 = vector.broadcast %shift_right_arithmetic3A_121 : i32 to vector<1000x96xi32>
    %shift_right_arithmetic3A_123 = arith.shrsi %max3A_80, %shift_right_arithmetic3A_122 : vector<1000x96xi32>
    %and3A_124 = arith.constant 1 : i32
    %and3A_125 = vector.broadcast %and3A_124 : i32 to vector<1000x96xi32>
    %and3A_126 = arith.andi %shift_right_arithmetic3A_123, %and3A_125 : vector<1000x96xi32>
    %eq3A_127 = arith.constant 1 : i32
    %eq3A_128 = vector.broadcast %eq3A_127 : i32 to vector<1000x96xi32>
    %eq3A_129 = arith.cmpi eq, %and3A_126, %eq3A_128 : vector<1000x96xi32>
    %mul3A_130 = arith.mulf %select_n3A_119, %mul3A_120 : vector<1000x96xf32>
    %select_n3A_131 = arith.select %eq3A_129, %mul3A_130, %select_n3A_119 : vector<1000x96xi1>, vector<1000x96xf32>
    %mul3A_132 = arith.mulf %dot_general3A_51, %select_n3A_131 : vector<1000x96xf32>
    %jit3A_133 = arith.constant 0.000000e+00 : f32
    %broadcast_in_dim3A_134 = vector.broadcast %jit3A_133 : f32 to vector<1000x96xf32>
    %select_n3A_135 = arith.select %lt3A_72, %mul3A_132, %broadcast_in_dim3A_134 : vector<1000x96xi1>, vector<1000x96xf32>
    %mul3A_136 = arith.mulf %select_n3A_135, %slice3A : vector<1000x96xf32>
    %dot_general3A_137 = arith.constant dense<0.000000e+00> : vector<1000x8xf32>
    %dot_general3A_138 = tpu.matmul %mul3A_136, %get3A_50, %dot_general3A_137 {dimension_numbers = #tpu.dot_dimension_numbers<[1], [1], [0], [0], [0, 0, 1, 0], [], []>, precision = #tpu.contract_precision<fp32>, transpose_lhs_hint = false} : vector<1000x96xf32>, vector<8x96xf32>, vector<1000x8xf32> -> vector<1000x8xf32>
    %mul3A_139 = arith.mulf %exp3A, %dot_general3A_138 : vector<1000x8xf32>
    %concatenate3A = tpu.concatenate %exp3A, %mul3A_139 in 1 : vector<1000x8xf32>, vector<1000x8xf32> -> vector<1000x16xf32>
    %swap3A = arith.constant 0 : index
    %swap3A_140 = arith.constant 0 : index
    %swap3A_141 = vector.load %arg7[%swap3A, %swap3A_140] : memref<1000x16xf32, #tpu.memory_space<vmem>>, vector<1000x16xf32>
    tpu.vector_store %arg7[%swap3A, %swap3A_140], %concatenate3A {strides = array<i32>} : memref<1000x16xf32, #tpu.memory_space<vmem>>, vector<1000x16xf32>,
    return
  }
  func.func @transform_0(%arg0: i32) -> (i32, i32) {
    %c0_i32 = arith.constant 0 : i32
    %c0_i32_0 = arith.constant 0 : i32
    return %arg0, %c0_i32 : i32, i32
  }
  func.func @transform_1(%arg0: i32) -> (i32, i32) {
    %c0_i32 = arith.constant 0 : i32
    %c0_i32_0 = arith.constant 0 : i32
    return %arg0, %c0_i32 : i32, i32
  }
  func.func @transform_2(%arg0: i32) -> (i32, i32) {
    %c0_i32 = arith.constant 0 : i32
    %c0_i32_0 = arith.constant 0 : i32
    return %arg0, %c0_i32 : i32, i32
  }
  func.func @transform_3(%arg0: i32) -> (i32, i32) {
    %c0_i32 = arith.constant 0 : i32
    %c0_i32_0 = arith.constant 0 : i32
    return %arg0, %c0_i32 : i32, i32
  }
  func.func @transform_4(%arg0: i32) -> (i32, i32) {
    %c0_i32 = arith.constant 0 : i32
    %c0_i32_0 = arith.constant 0 : i32
    return %arg0, %c0_i32 : i32, i32
  }
  func.func @transform_5(%arg0: i32) -> (i32, i32) {
    %c0_i32 = arith.constant 0 : i32
    %c0_i32_0 = arith.constant 0 : i32
    %c0_i32_1 = arith.constant 0 : i32
    return %c0_i32, %c0_i32_0 : i32, i32
  }
  func.func @transform_6(%arg0: i32) -> (i32, i32) {
    %c0_i32 = arith.constant 0 : i32
    %c0_i32_0 = arith.constant 0 : i32
    return %arg0, %c0_i32 : i32, i32
  }
}

module attributes {stable_mosaic.version = 14 : i64} {
  func.func @_fin_body(%arg0: i32, %arg1: memref<2x1000x16xf32, #tpu.memory_space<vmem>>, %arg2: memref<1000x8xf32, #tpu.memory_space<vmem>>) attributes {dimension_semantics = [#tpu.dimension_semantics<arbitrary>], iteration_bounds = array<i64: 10>, scalar_prefetch = 0 : i64, scratch_operands = 0 : i64, tpu.core_type = #tpu.core_type<tc>, window_params = [{transform_indices = @transform_0, window_bounds = array<i64: 2, 1000, 16>}, {transform_indices = @transform_1, window_bounds = array<i64: 1000, 8>}]} {
    %get3A = arith.constant 0 : index
    %get3A_0 = arith.constant 0 : index
    %get3A_1 = arith.constant 0 : index
    %get3A_2 = vector.load %arg1[%get3A, %get3A_0, %get3A_1] : memref<2x1000x16xf32, #tpu.memory_space<vmem>>, vector<2x1000x16xf32>
    %slice3A = vector.extract_strided_slice %get3A_2 {offsets = [0, 0, 0], sizes = [1, 1000, 16], strides = [1, 1, 1]} : vector<2x1000x16xf32> to vector<1x1000x16xf32>
    %squeeze3A = vector.shape_cast %slice3A : vector<1x1000x16xf32> to vector<1000x16xf32>
    %slice3A_3 = vector.extract_strided_slice %get3A_2 {offsets = [1, 0, 0], sizes = [1, 1000, 16], strides = [1, 1, 1]} : vector<2x1000x16xf32> to vector<1x1000x16xf32>
    %squeeze3A_4 = vector.shape_cast %slice3A_3 : vector<1x1000x16xf32> to vector<1000x16xf32>
    %add3A = arith.addf %squeeze3A, %squeeze3A_4 : vector<1000x16xf32>
    %slice3A_5 = vector.extract_strided_slice %add3A {offsets = [0, 0], sizes = [1000, 8], strides = [1, 1]} : vector<1000x16xf32> to vector<1000x8xf32>
    %slice3A_6 = vector.extract_strided_slice %add3A {offsets = [0, 8], sizes = [1000, 8], strides = [1, 1]} : vector<1000x16xf32> to vector<1000x8xf32>
    %gt3A = arith.constant 0.000000e+00 : f32
    %gt3A_7 = vector.broadcast %gt3A : f32 to vector<1000x8xf32>
    %gt3A_8 = arith.cmpf ogt, %slice3A_5, %gt3A_7 : vector<1000x8xf32>
    %div3A = arith.divf %slice3A_6, %slice3A_5 : vector<1000x8xf32>
    %jit3A = arith.constant 0.000000e+00 : f32
    %broadcast_in_dim3A = vector.broadcast %jit3A : f32 to vector<1000x8xf32>
    %select_n3A = arith.select %gt3A_8, %div3A, %broadcast_in_dim3A : vector<1000x8xi1>, vector<1000x8xf32>
    %swap3A = arith.constant 0 : index
    %swap3A_9 = arith.constant 0 : index
    %swap3A_10 = vector.load %arg2[%swap3A, %swap3A_9] : memref<1000x8xf32, #tpu.memory_space<vmem>>, vector<1000x8xf32>
    tpu.vector_store %arg2[%swap3A, %swap3A_9], %select_n3A {strides = array<i32>} : memref<1000x8xf32, #tpu.memory_space<vmem>>, vector<1000x8xf32>,
    return
  }
  func.func @transform_0(%arg0: i32) -> (i32, i32, i32) {
    %c0_i32 = arith.constant 0 : i32
    %c0_i32_0 = arith.constant 0 : i32
    %c0_i32_1 = arith.constant 0 : i32
    return %c0_i32, %arg0, %c0_i32_0 : i32, i32, i32
  }
  func.func @transform_1(%arg0: i32) -> (i32, i32) {
    %c0_i32 = arith.constant 0 : i32
    %c0_i32_0 = arith.constant 0 : i32
    return %arg0, %c0_i32 : i32, i32
  }
}

</mosaic_0001>

<sc_bundles>
// kernel: kernel.11.cloned.1.call-start
scs
__scs_entry_jumppad:
0x0: {  	(pc) =	sbr.rel $0x88, $3  }
0x1: {  	(tag) =	ssettag $0x0;
	lr =	simm.s32 $0x1  }
0x2: {  	[smem:$0x3F8B] =	sst lr;
	_ =	strace $0xD0000000  }
0x3: {  	_ = 	snop  }
0x4: {  	_ = 	snop  }
0x5: {  	_ = 	snop  }
0x6: {  	_ = 	snop  }
0x7: {  	_ = 	snop  }
__scs_overlays_trampoline_lowered:
0x8: {  	[smem:$0x3F9A] =	sst s0  }
0x9: {  	[smem:$0x3F9B] =	sst s1  }
0xa: {  	[smem:$0x3F9C] =	sst s2  }
0xb: {  	[smem:$0x3F9D] =	sst s3  }
0xc: {  	[smem:$0x3F9E] =	sst s4  }
0xd: {  	[smem:$0x3F9F] =	sst s5  }
0xe: {  	[smem:$0x3FA0] =	sst s6  }
0xf: {  	[smem:$0x3FA1] =	sst s7  }
0x10: {  	[smem:$0x3FA2] =	sst s8  }
0x11: {  	[smem:$0x3FA3] =	sst s9;
	s0 =	simm.s32 @!p0 $0x0  }
0x12: {  	s1 =	sld [smem:$0x3F89];
	s0 =	simm.s32 @p0 $0x1  }
0x13: {  	[smem:$0x3FA4] =	sst s0;
	s0 =	simm.s32 @!p1 $0x0  }
0x14: {  	s2 =	sld [smem:$0x3F88];
	s0 =	simm.s32 @p1 $0x1  }
0x15: {  	[smem:$0x3FA5] =	sst s0;
	s0 =	simm.s32 @!p2 $0x0  }
0x16: {  	s3 =	sld [smem:$0x3FDB];
	s0 =	simm.s32 @p2 $0x1  }
0x17: {  	s4 =	simm.s32 $0x1BF5;
	[smem:$0x3FA7] =	sst s0  }
0x18: {  	s0 =	sld [smem:$0x3F8A];
	_ =	swait.ge [sflag:s4], $0x0  }
0x19: {  	s7 =	sld [smem:$0x3F8B]  }
0x1a: {  	s8 =	sadd.s32 $0xFFFFE003, lr  }
0x1b: {  	s9 =	sadd.s32 $0xFFFFFEF7, lr;
	s5 =	simm.s32 $0xFFFFFFFF;
	p2 =	slt.u32 s8, $0xFFFFF086  }
0x1c: {  	p1 =	slt.u32 s9, $0xF7A;
	s5 =	simm.s32 @!p2 $0x0  }
0x1d: {  	s5 =	simm.s32 @p1 $0x1;
	p0 =	seq.s32 s7, s2  }
0x1e: {  	s7 =	smul.u32 @!p0 $0xF7A, s2;
	p2 =	seq.s32 @!p0 s5, $0x0  }
0x1f: {  	s9 =	smul.u32 $0xF7A, s1;
	s8 =	simm.s32 @!p0 $0x1BF5;
	p2 =	por !p2, p0  }
0x20: {  	[sflag:s8] =	ssyncset.s32 @!p0 $0xFFFFF086;
	s6 =	sadd.s32 @!p0 s3, s7;
	s7 =	simm.s32 @!p0 $0x108  }
0x21: {  	s3 =	sadd.s32 s3, s9;
	s6 =	sadd.s32 @!p0 $0x88, s6;
	s7 =	simm.s32 @p2 $0x1082  }
0x22: {  	[simem:s7], [sflag:s8] =	dma.local @!p0 [hbm:s6], $0xF7A  }
0x23: {  	s9 =	sor.u32 $0xD0000000, s2;
	s6 =	simm.s32 $0x108;
	_ =	swait.ge @!p0 [sflag:s8], $0x0  }
0x24: {  	s3 =	sadd.s32 $0x88, s3;
	s6 =	simm.s32 @!p1 $0x1082;
	[sflag:s4] =	ssyncset.s32 $0xFFFFF086  }
0x25: {  	[simem:s6], [sflag:s4] =	dma.local [hbm:s3], $0xF7A  }
0x26: {  	[smem:$0x3F8B] =	sst s1;
	(tag) =	ssettag s2;
	_ =	strace s9  }
0x27: {  	s1 =	sld [smem:$0x3F9B]  }
0x28: {  	s2 =	sld [smem:$0x3F9C]  }
0x29: {  	s4 =	sld [smem:$0x3F9E]  }
0x2a: {  	p0 =	seq.s32 s5, $0x0;
	s5 =	sld [smem:$0x3F9F]  }
0x2b: {  	s6 =	sld [smem:$0x3FA0]  }
0x2c: {  	s7 =	sld [smem:$0x3FA1]  }
0x2d: {  	s3 =	simm.s32 $0x108;
	s8 =	sld [smem:$0x3FA2]  }
0x2e: {  	s3 =	simm.s32 @!p0 $0x1082;
	s9 =	sld [smem:$0x3FA3]  }
0x2f: {  	lr =	sadd.s32 s0, s3;
	s0 =	sld [smem:$0x3F9A]  }
0x30: {  	s3 =	sld [smem:$0x3F9D]  }
0x31: {  	[smem:$0x3FA6] =	sst s10  }
0x32: {  	s10 =	sld [smem:$0x3FA4];
	_ =	sdelay $0x3  }
0x33: {  	p0 =	seq.s32 s10, $0x1;
	s10 =	sld [smem:$0x3FA6];
	_ =	sdelay $0x3  }
0x34: {  	[smem:$0x3FA6] =	sst s10  }
0x35: {  	s10 =	sld [smem:$0x3FA5];
	_ =	sdelay $0x3  }
0x36: {  	p1 =	seq.s32 s10, $0x1;
	s10 =	sld [smem:$0x3FA6];
	_ =	sdelay $0x3  }
0x37: {  	[smem:$0x3FA6] =	sst s10  }
0x38: {  	s10 =	sld [smem:$0x3FA7]  }
0x39: {  	_ = 	snop;
	(pc) =	sbr.ind lr, $3  }
0x3a: {  	_ = 	snop  }
0x3b: {  	_ = 	snop  }
0x3c: {  	p2 =	seq.s32 s10, $0x1;
	s10 =	sld [smem:$0x3FA6]  }
0x3d: {  	_ =	shalt  }
0x3e: {  	_ =	shalt  }
0x3f: {  	_ =	shalt  }
0x40: {  	_ =	shalt  }
0x41: {  	_ =	shalt  }
0x42: {  	_ =	shalt  }
0x43: {  	_ =	shalt  }
0x44: {  	_ =	shalt  }
0x45: {  	_ =	shalt  }
0x46: {  	_ =	shalt  }
0x47: {  	_ =	shalt  }
0x48: {  	_ =	shalt  }
0x49: {  	_ =	shalt  }
0x4a: {  	_ =	shalt  }
0x4b: {  	_ =	shalt  }
0x4c: {  	_ =	shalt  }
0x4d: {  	_ =	shalt  }
0x4e: {  	_ =	shalt  }
0x4f: {  	_ =	shalt  }
0x50: {  	_ =	shalt  }
0x51: {  	_ =	shalt  }
0x52: {  	_ =	shalt  }
0x53: {  	_ =	shalt  }
0x54: {  	_ =	shalt  }
0x55: {  	_ =	shalt  }
0x56: {  	_ =	shalt  }
0x57: {  	_ =	shalt  }
0x58: {  	_ =	shalt  }
0x59: {  	_ =	shalt  }
0x5a: {  	_ =	shalt  }
0x5b: {  	_ =	shalt  }
0x5c: {  	_ =	shalt  }
0x5d: {  	_ =	shalt  }
0x5e: {  	_ =	shalt  }
0x5f: {  	_ =	shalt  }
0x60: {  	_ =	shalt  }
0x61: {  	_ =	shalt  }
0x62: {  	_ =	shalt  }
0x63: {  	_ =	shalt  }
0x64: {  	_ =	shalt  }
0x65: {  	_ =	shalt  }
0x66: {  	_ =	shalt  }
0x67: {  	_ =	shalt  }
0x68: {  	_ =	shalt  }
0x69: {  	_ =	shalt  }
0x6a: {  	_ =	shalt  }
0x6b: {  	_ =	shalt  }
0x6c: {  	_ =	shalt  }
0x6d: {  	_ =	shalt  }
0x6e: {  	_ =	shalt  }
0x6f: {  	_ =	shalt  }
0x70: {  	_ =	shalt  }
0x71: {  	_ =	shalt  }
0x72: {  	_ =	shalt  }
0x73: {  	_ =	shalt  }
0x74: {  	_ =	shalt  }
0x75: {  	_ =	shalt  }
0x76: {  	_ =	shalt  }
0x77: {  	_ =	shalt  }
0x78: {  	_ =	shalt  }
0x79: {  	_ =	shalt  }
0x7a: {  	_ =	shalt  }
0x7b: {  	_ =	shalt  }
0x7c: {  	_ =	shalt  }
0x7d: {  	_ =	shalt  }
0x7e: {  	_ =	shalt  }
0x7f: {  	_ =	shalt  }
0x80: {  	_ =	shalt  }
0x81: {  	_ =	shalt  }
0x82: {  	_ =	shalt  }
0x83: {  	_ =	shalt  }
0x84: {  	_ =	shalt  }
0x85: {  	_ =	shalt  }
0x86: {  	_ =	shalt  }
0x87: {  	_ =	shalt  }
.Lfunc_end0:
.L_simem_size_0:
called_computation.1_lowered:
.L_overlay_start_0:
0x88: {  	s2 =	sld [smem:$0x3FD9]  }
0x89: {  	s3 =	sld [smem:$0x3FFE];
	_ =	sdelay $0x1  }
0x8a: {  	s1 =	srdreg.scid  }
0x8b: {  	s0 =	sand.u32 $0x1, s1  }
0x8c: {  	s16 =	sshll.u32 s0, $0xA;
	s2 =	sadd.s32 s3, s2  }
0x8d: {  	s2 =	sadd.s32 s2, s16  }
0x8e: {  	[smem:$0x3FB2] =	sst s2  }
0x8f: {  	_ = 	snop  }
0x90: {  	(tm) =	ssettm $0x1  }
0x91: {  	s17 =	sld [smem:$0x3FFB];
	_ =	sdelay $0x3  }
0x92: {  	_ =	strace s17  }
0x93: {  	s2 =	sld [smem:$0x3FFC];
	_ =	sdelay $0x3  }
0x94: {  	_ =	strace s2  }
0x95: {  	s2 =	sld [smem:$0x3FFD];
	_ =	sdelay $0x3  }
0x96: {  	_ =	strace s2  }
0x97: {  	_ =	strace $0x8FFFFFFF  }
0x98: {  	s18 =	sld [smem:$0x3FDB];
	_ =	sdelay $0x1  }
0x99: {  	s19 =	simm.s32 $_scs_section_size  }
0x9a: {  	s4 =	simm.s32 $_size__tile_overlayer_lowered;
	s5 =	simm.s32 $_tile_overlayer_lowered  }
0x9b: {  	s22 =	simm.s32 $0x1BFF;
	s21 =	sshll.u32 s5, $0x1;
	s2 =	sadd.s32 s19, s18  }
0x9c: {  	s6 =	simm.s32 $0x0;
	s20 =	sshll.u32 s4, $0x1;
	s4 =	sadd.s32 s21, s2  }
0x9d: {  	[timem:s6], [sflag:s22] =	dma.local [hbm:s4], s20  }
0x9e: {  	_ =	swait.ge [sflag:s22], s20  }
0x9f: {  	s3 =	ssub.s32 $0x0, s20;
	[sflag:s22] =	ssyncset.done $0x0  }
0xa0: {  	[sflag:s22] =	ssyncadd.s32 s3;
	_ =	sdelay $0x1  }
0xa1: {  	s23 =	simm.s32 $0x1B8B  }
0xa2: {  	_ =	swait.ge [sflag:s23], $0x1  }
0xa3: {  	[sflag:s23] =	ssyncset.done $0x0  }
0xa4: {  	s25 =	simm.s32 $0x1B8E;
	s24 =	sld [smem:$0x3FFE];
	[sflag:s23] =	ssyncadd.s32 $0xFFFFFFFF  }
0xa5: {  	s26 =	simm.s32 $execute0_lowered;
	[smem:$0x3FD2] =	sst s25  }
0xa6: {  	s4 =	sshll.u32 s26, $0x1;
	_ =	strace $0x80000049;
	[dreg:$0x1] =	wrdreg $0xFFFFFFFF  }
0xa7: {  	s28 =	simm.s32 $_size_execute0_lowered;
	s2 =	sadd.s32 s2, s4;
	[dreg:$0x0] =	wrdreg $0x0  }
0xa8: {  	s4 =	sshll.u32 s28, $0x1;
	[dreg:$0x2] =	wrdreg s2  }
0xa9: {  	[dreg:$0x3] =	wrdreg s4  }
0xaa: {  	[dreg:$0x4] =	wrdreg $0xC0  }
0xab: {  	_ =	task [dreg:s6], $0x5FFFF  }
0xac: {  	[dreg:$0x1] =	wrdreg $0xFFFFFFFF  }
0xad: {  	[dreg:$0x0] =	wrdreg $0x60  }
0xae: {  	[dreg:$0x2] =	wrdreg s24  }
0xaf: {  	[dreg:$0x3] =	wrdreg $0x8800  }
0xb0: {  	[dreg:$0x4] =	wrdreg $0x9  }
0xb1: {  	_ =	task.clear_ibuf [dreg:s6], $0x5FFFF;
	_ =	strace $0x90000049  }
0xb2: {  	s29 =	simm.s32 $0x9;
	_ =	strace $0x8000004B  }
0xb3: {  	_ =	swait.ge [sflag:s29], $0x1  }
0xb4: {  	[sflag:s29] =	ssyncadd.s32 $0xFFFFFFFF  }
0xb5: {  	_ =	strace $0x9000004B  }
0xb6: {  	_ =	sfence  }
0xb7: {  	s30 =	sld [smem:$0x0];
	_ =	sdelay $0x2  }
0xb8: {  	s31 =	sshll.u32 s1, $0xD;
	s1 =	sshrl.u32 s1, $0x2  }
0xb9: {  	s3 =	sand.u32 $0x4000, s31;
	s1 =	sadd.s32 s1, s30  }
0xba: {  	s0 =	sor.u32 s3, s0;
	s1 =	sshll.u32 s1, $0x11  }
0xbb: {  	s0 =	sor.u32 s1, s0  }
0xbc: {  	s0 =	sadd.s32 $0x8F2B, s0  }
0xbd: {  	[sflag:s0] =	ssyncadd.remote.s32 $0x1  }
0xbe: {  	_ =	sfence.sel $0xFFFF  }
0xbf: {  	[dreg:$0x0] =	wrdreg $0xFFFFFFFF;
	(pc) =	sbr.abs _section_cstart, $3  }
0xc0: {  	[dreg:$0x1] =	wrdreg $0xFFFFFFFF  }
0xc1: {  	_ =	task.clear_ibuf [dreg:s6], $0x2FFFF;
	_ =	strace $0x9FFFFFFF  }
0xc2: {  	(tm) =	ssettm $0x7FFFFFFF  }
0xc3: {  	_ =	shalt  }
tec
execute0_lowered:
.L_overlay_start_1:
0x0: {  	(tag) =	ssettag $0x1  }
0x1: {  	s4 =	rddreg [dreg:$0x0]  }
0x2: {  	s1 =	rddreg [dreg:$0x1]  }
0x3: {  	s0 =	rddreg [dreg:$0x2];
	s5 =	srdreg.scid  }
0x4: {  	s3 =	simm.s32 $0x0;
	s2 =	stileid.u32;
	s7 =	sand.u32 $0x1, s5  }
0x5: {  	s24 =	sshll.u32 s2, $0x8;
	s8 =	smul.u32 $0x2710, s2;
	[smem:$0x7FF] =	sst s3  }
0x6: {  	s9 =	sshll.u32 s2, $0x9;
	s30 =	sshll.u32 s2, $0x6;
	p0 =	seq.s32 s2, $0x0  }
0x7: {  	s6 =	sshll.u32 s7, $0x7;
	s25 =	smul.u32 $0x27100, s7;
	_ =	strace $0x8000004A  }
0x8: {  	s9 =	sadd.s32 s9, s4;
	s11 =	ssub.s32 $0x2, s7;
	s14 =	sshll.u32 s7, $0x8  }
0x9: {  	s5 =	sor.u32 s6, s24;
	s28 =	sshrl.u32 s8, $0x3;
	s29 =	sshrl.u32 s11, $0x1  }
0xa: {  	s13 =	sadd.s32 s8, s1;
	s31 =	sadd.s32 s14, s9;
	s14 =	simm.s32 $0x0  }
0xb: {  	s5 =	sshrl.u32 s5, $0x3;
	s26 =	sadd.s32 s8, s25;
	s6 =	sadd.s32 s28, s4  }
0xc: {  	s11 =	ssub.s32 s11, s29;
	s10 =	sadd.s32 s5, s4;
	s5 =	sshrl.u32 s26, $0x3  }
0xd: {  	s8 =	smax.u32 s11, $0x1;
	s11 =	sshrl.u32 s13, $0x3;
	s13 =	simm.s32 $0x80  }
0xe: {  	s12 =	sadd.s32 s5, s4;
	s4 =	sadd.s32 $0x2600, s6;
	s5 =	simm.s32 $0x28  }
0xf: {  	s6 =	sor.u32 $0x1C01, s30;
	s9 =	sadd.s32 $0x2EA00, s10;
	s10 =	sadd.s32 $0x2A4A00, s31  }
0x10: {  	s5 =	simm.s32 @!p0 $0x27;
	s7 =	sadd.s32 $0x7600, s12;
	s12 =	simm.s32 $0x1  }
.LBB2_1:
0x11: {  	[spmem:s11], [sflag:s6] =	dma.local [hbm:s4], $0x4E2  }
0x12: {  	_ =	swait.ge [sflag:s12], $0x4E2  }
0x13: {  	[sflag:s12] =	ssyncset.done $0x0  }
0x14: {  	[sflag:s12] =	ssyncadd.s32 $0xFFFFFB1E  }
0x15: {  	[bflag:$0x0] =	sbarrier.arrive $0xFFFF  }
0x16: {  	[tilespmem:s3], [sflag:$0x1] =	stream.linear.gather [hbm4b:s9+s3], $0x80, $0x38;
	[tilespmem:$0x2F90] =	vst v63  }
0x17: {  	_ =	swait.ge [sflag:s12], $0x80  }
0x18: {  	[sflag:s12] =	ssyncset.done $0x0  }
0x19: {  	[sflag:s12] =	ssyncadd.s32 $0xFFFFFF80  }
0x1a: {  	[tilespmem:s13], [sflag:$0x1] =	stream.linear.gather [hbm4b:s10+s3], $0x800, $0x38;
	[tilespmem:$0x2F90] =	vst v63  }
0x1b: {  	p0 =	sne.s32 s5, $0x1;
	_ =	swait.ge [sflag:s12], $0x800  }
.Ltmp0:
0x1c: {  	[sflag:s12] =	ssyncset.done $0x0;
	(pc) =	sbr.rel @!p0 .LBB2_3-.Ltmp0, $4  }
0x1d: {  	[sflag:s12] =	ssyncadd.s32 $0xFFFFF800  }
0x1e: {  	[spmem:s1] =	stream.indirect.scatter.add.f32 [tilespmem:s13], [sflag:$0x1], $0x10, s3, s13, $0xb8;
	[tilespmem:$0x2F90] =	vst v63  }
0x1f: {  	s15 =	sadd.s32 $0xFFFFFFFF, s5;
	_ =	swait.ge [sflag:s12], $0x800  }
0x20: {  	s16 =	smov.u32 s9;
	s17 =	smov.u32 s10;
	[sflag:s12] =	ssyncset.done $0x0  }
.LBB2_2:
0x21: {  	[sflag:s12] =	ssyncadd.s32 $0xFFFFF800;
	s16 =	sadd.s32 $0x200, s16;
	s17 =	sadd.s32 $0x2000, s17  }
0x22: {  	[tilespmem:s3], [sflag:$0x1] =	stream.linear.gather [hbm4b:s16+s3], $0x80, $0x38;
	[tilespmem:$0x2F90] =	vst v63  }
0x23: {  	p0 =	sne.s32 s15, $0x1;
	s15 =	sadd.s32 $0xFFFFFFFF, s15;
	_ =	swait.ge [sflag:s12], $0x80  }
0x24: {  	[sflag:s12] =	ssyncset.done $0x0  }
0x25: {  	[sflag:s12] =	ssyncadd.s32 $0xFFFFFF80  }
0x26: {  	[tilespmem:s13], [sflag:$0x1] =	stream.linear.gather [hbm4b:s17+s3], $0x800, $0x38;
	[tilespmem:$0x2F90] =	vst v63  }
0x27: {  	_ =	swait.ge [sflag:s12], $0x800  }
.Ltmp1:
0x28: {  	[sflag:s12] =	ssyncset.done $0x0;
	(pc) =	sbr.rel @p0 .LBB2_2-.Ltmp1, $4  }
0x29: {  	[sflag:s12] =	ssyncadd.s32 $0xFFFFF800  }
0x2a: {  	[spmem:s1] =	stream.indirect.scatter.add.f32 [tilespmem:s13], [sflag:$0x1], $0x10, s3, s13, $0xb8;
	[tilespmem:$0x2F90] =	vst v63  }
0x2b: {  	_ =	swait.ge [sflag:s12], $0x800  }
0x2c: {  	[sflag:s12] =	ssyncset.done $0x0  }
.LBB2_3:
0x2d: {  	s14 =	sadd.s32 $0x1, s14  }
0x2e: {  	[sflag:s12] =	ssyncadd.s32 $0xFFFFF800;
	p0 =	sne.s32 s14, s8  }
.Ltmp2:
0x2f: {  	[bflag:$0x0] =	sbarrier.arrive $0xFFFF;
	(pc) =	sbr.rel @p0 .LBB2_1-.Ltmp2, $4  }
0x30: {  	[hbm:s7], [sflag:s6] =	dma.local [spmem:s11], $0x4E2  }
0x31: {  	_ =	swait.ge [sflag:s12], $0x4E2  }
0x32: {  	[sflag:s12] =	ssyncset.done $0x0  }
0x33: {  	[sflag:s12] =	ssyncadd.s32 $0xFFFFFB1E  }
0x34: {  	_ =	sfence.sel $0x180000  }
0x35: {  	[bflag:$0x0] =	sbarrier.arrive $0xFFFF  }
0x36: {  	p0 =	sne.s32 s2, $0x0;
	_ =	strace $0x9000004A  }
0x37: {  	s0 =	sadd.s32 @!p0 $0x100000, s0;
	[bflag:$0x2] =	sbarrier.arrive $0xFFFF  }
0x38: {  	[sflag:s0] =	ssyncadd.tile.s32 @!p0 $0x1;
	_ =	shalt  }
.Lfunc_end2:
_tile_overlayer_lowered:
.L_overlay_start_2:
0x39: {  	(tag) =	ssettag $0x2  }
0x3a: {  	s0 =	rddreg [dreg:$0x0];
	s2 =	stileid.u32  }
0x3b: {  	s1 =	rddreg [dreg:$0x1];
	p0 =	sne.s32 s2, $0x0  }
0x3c: {  	s3 =	rddreg [dreg:$0x2];
	[bflag:$0x3] =	sbarrier.arrive $0xFFFF;
	s2 =	simm.s32 @!p0 $0x1C01  }
0x3d: {  	[timem:s3], [sflag:s2] =	dma.local @!p0 [hbm:s0], s1  }
0x3e: {  	s0 =	simm.s32 @!p0 $0x1  }
0x3f: {  	_ =	swait.ge @!p0 [sflag:s0], s1  }
0x40: {  	s1 =	ssub.s32 @!p0 $0x0, s1;
	[sflag:s0] =	ssyncset.done @!p0 $0x0  }
0x41: {  	[sflag:s0] =	ssyncadd.s32 @!p0 s1  }
0x42: {  	[bflag:$0x3] =	sbarrier.arrive $0xFFFF  }
0x43: {  	_ =	shalt  }

// kernel: kernel.8.cloned.1.call-start
scs
__scs_entry_jumppad:
0x0: {  	(pc) =	sbr.rel $0x88, $3  }
0x1: {  	(tag) =	ssettag $0x0;
	lr =	simm.s32 $0x1  }
0x2: {  	[smem:$0x3F8B] =	sst lr;
	_ =	strace $0xD0000000  }
0x3: {  	_ = 	snop  }
0x4: {  	_ = 	snop  }
0x5: {  	_ = 	snop  }
0x6: {  	_ = 	snop  }
0x7: {  	_ = 	snop  }
__scs_overlays_trampoline_lowered:
0x8: {  	[smem:$0x3F9A] =	sst s0  }
0x9: {  	[smem:$0x3F9B] =	sst s1  }
0xa: {  	[smem:$0x3F9C] =	sst s2  }
0xb: {  	[smem:$0x3F9D] =	sst s3  }
0xc: {  	[smem:$0x3F9E] =	sst s4  }
0xd: {  	[smem:$0x3F9F] =	sst s5  }
0xe: {  	[smem:$0x3FA0] =	sst s6  }
0xf: {  	[smem:$0x3FA1] =	sst s7  }
0x10: {  	[smem:$0x3FA2] =	sst s8  }
0x11: {  	[smem:$0x3FA3] =	sst s9;
	s0 =	simm.s32 @!p0 $0x0  }
0x12: {  	s1 =	sld [smem:$0x3F89];
	s0 =	simm.s32 @p0 $0x1  }
0x13: {  	[smem:$0x3FA4] =	sst s0;
	s0 =	simm.s32 @!p1 $0x0  }
0x14: {  	s2 =	sld [smem:$0x3F88];
	s0 =	simm.s32 @p1 $0x1  }
0x15: {  	[smem:$0x3FA5] =	sst s0;
	s0 =	simm.s32 @!p2 $0x0  }
0x16: {  	s3 =	sld [smem:$0x3FDB];
	s0 =	simm.s32 @p2 $0x1  }
0x17: {  	s4 =	simm.s32 $0x1BF5;
	[smem:$0x3FA7] =	sst s0  }
0x18: {  	s0 =	sld [smem:$0x3F8A];
	_ =	swait.ge [sflag:s4], $0x0  }
0x19: {  	s7 =	sld [smem:$0x3F8B]  }
0x1a: {  	s8 =	sadd.s32 $0xFFFFE003, lr  }
0x1b: {  	s9 =	sadd.s32 $0xFFFFFEF7, lr;
	s5 =	simm.s32 $0xFFFFFFFF;
	p2 =	slt.u32 s8, $0xFFFFF086  }
0x1c: {  	p1 =	slt.u32 s9, $0xF7A;
	s5 =	simm.s32 @!p2 $0x0  }
0x1d: {  	s5 =	simm.s32 @p1 $0x1;
	p0 =	seq.s32 s7, s2  }
0x1e: {  	s7 =	smul.u32 @!p0 $0xF7A, s2;
	p2 =	seq.s32 @!p0 s5, $0x0  }
0x1f: {  	s9 =	smul.u32 $0xF7A, s1;
	s8 =	simm.s32 @!p0 $0x1BF5;
	p2 =	por !p2, p0  }
0x20: {  	[sflag:s8] =	ssyncset.s32 @!p0 $0xFFFFF086;
	s6 =	sadd.s32 @!p0 s3, s7;
	s7 =	simm.s32 @!p0 $0x108  }
0x21: {  	s3 =	sadd.s32 s3, s9;
	s6 =	sadd.s32 @!p0 $0x88, s6;
	s7 =	simm.s32 @p2 $0x1082  }
0x22: {  	[simem:s7], [sflag:s8] =	dma.local @!p0 [hbm:s6], $0xF7A  }
0x23: {  	s9 =	sor.u32 $0xD0000000, s2;
	s6 =	simm.s32 $0x108;
	_ =	swait.ge @!p0 [sflag:s8], $0x0  }
0x24: {  	s3 =	sadd.s32 $0x88, s3;
	s6 =	simm.s32 @!p1 $0x1082;
	[sflag:s4] =	ssyncset.s32 $0xFFFFF086  }
0x25: {  	[simem:s6], [sflag:s4] =	dma.local [hbm:s3], $0xF7A  }
0x26: {  	[smem:$0x3F8B] =	sst s1;
	(tag) =	ssettag s2;
	_ =	strace s9  }
0x27: {  	s1 =	sld [smem:$0x3F9B]  }
0x28: {  	s2 =	sld [smem:$0x3F9C]  }
0x29: {  	s4 =	sld [smem:$0x3F9E]  }
0x2a: {  	p0 =	seq.s32 s5, $0x0;
	s5 =	sld [smem:$0x3F9F]  }
0x2b: {  	s6 =	sld [smem:$0x3FA0]  }
0x2c: {  	s7 =	sld [smem:$0x3FA1]  }
0x2d: {  	s3 =	simm.s32 $0x108;
	s8 =	sld [smem:$0x3FA2]  }
0x2e: {  	s3 =	simm.s32 @!p0 $0x1082;
	s9 =	sld [smem:$0x3FA3]  }
0x2f: {  	lr =	sadd.s32 s0, s3;
	s0 =	sld [smem:$0x3F9A]  }
0x30: {  	s3 =	sld [smem:$0x3F9D]  }
0x31: {  	[smem:$0x3FA6] =	sst s10  }
0x32: {  	s10 =	sld [smem:$0x3FA4];
	_ =	sdelay $0x3  }
0x33: {  	p0 =	seq.s32 s10, $0x1;
	s10 =	sld [smem:$0x3FA6];
	_ =	sdelay $0x3  }
0x34: {  	[smem:$0x3FA6] =	sst s10  }
0x35: {  	s10 =	sld [smem:$0x3FA5];
	_ =	sdelay $0x3  }
0x36: {  	p1 =	seq.s32 s10, $0x1;
	s10 =	sld [smem:$0x3FA6];
	_ =	sdelay $0x3  }
0x37: {  	[smem:$0x3FA6] =	sst s10  }
0x38: {  	s10 =	sld [smem:$0x3FA7]  }
0x39: {  	_ = 	snop;
	(pc) =	sbr.ind lr, $3  }
0x3a: {  	_ = 	snop  }
0x3b: {  	_ = 	snop  }
0x3c: {  	p2 =	seq.s32 s10, $0x1;
	s10 =	sld [smem:$0x3FA6]  }
0x3d: {  	_ =	shalt  }
0x3e: {  	_ =	shalt  }
0x3f: {  	_ =	shalt  }
0x40: {  	_ =	shalt  }
0x41: {  	_ =	shalt  }
0x42: {  	_ =	shalt  }
0x43: {  	_ =	shalt  }
0x44: {  	_ =	shalt  }
0x45: {  	_ =	shalt  }
0x46: {  	_ =	shalt  }
0x47: {  	_ =	shalt  }
0x48: {  	_ =	shalt  }
0x49: {  	_ =	shalt  }
0x4a: {  	_ =	shalt  }
0x4b: {  	_ =	shalt  }
0x4c: {  	_ =	shalt  }
0x4d: {  	_ =	shalt  }
0x4e: {  	_ =	shalt  }
0x4f: {  	_ =	shalt  }
0x50: {  	_ =	shalt  }
0x51: {  	_ =	shalt  }
0x52: {  	_ =	shalt  }
0x53: {  	_ =	shalt  }
0x54: {  	_ =	shalt  }
0x55: {  	_ =	shalt  }
0x56: {  	_ =	shalt  }
0x57: {  	_ =	shalt  }
0x58: {  	_ =	shalt  }
0x59: {  	_ =	shalt  }
0x5a: {  	_ =	shalt  }
0x5b: {  	_ =	shalt  }
0x5c: {  	_ =	shalt  }
0x5d: {  	_ =	shalt  }
0x5e: {  	_ =	shalt  }
0x5f: {  	_ =	shalt  }
0x60: {  	_ =	shalt  }
0x61: {  	_ =	shalt  }
0x62: {  	_ =	shalt  }
0x63: {  	_ =	shalt  }
0x64: {  	_ =	shalt  }
0x65: {  	_ =	shalt  }
0x66: {  	_ =	shalt  }
0x67: {  	_ =	shalt  }
0x68: {  	_ =	shalt  }
0x69: {  	_ =	shalt  }
0x6a: {  	_ =	shalt  }
0x6b: {  	_ =	shalt  }
0x6c: {  	_ =	shalt  }
0x6d: {  	_ =	shalt  }
0x6e: {  	_ =	shalt  }
0x6f: {  	_ =	shalt  }
0x70: {  	_ =	shalt  }
0x71: {  	_ =	shalt  }
0x72: {  	_ =	shalt  }
0x73: {  	_ =	shalt  }
0x74: {  	_ =	shalt  }
0x75: {  	_ =	shalt  }
0x76: {  	_ =	shalt  }
0x77: {  	_ =	shalt  }
0x78: {  	_ =	shalt  }
0x79: {  	_ =	shalt  }
0x7a: {  	_ =	shalt  }
0x7b: {  	_ =	shalt  }
0x7c: {  	_ =	shalt  }
0x7d: {  	_ =	shalt  }
0x7e: {  	_ =	shalt  }
0x7f: {  	_ =	shalt  }
0x80: {  	_ =	shalt  }
0x81: {  	_ =	shalt  }
0x82: {  	_ =	shalt  }
0x83: {  	_ =	shalt  }
0x84: {  	_ =	shalt  }
0x85: {  	_ =	shalt  }
0x86: {  	_ =	shalt  }
0x87: {  	_ =	shalt  }
.Lfunc_end0:
.L_simem_size_0:
called_computation_lowered:
.L_overlay_start_0:
0x88: {  	s2 =	sld [smem:$0x3FD9]  }
0x89: {  	s3 =	sld [smem:$0x3FFE];
	_ =	sdelay $0x1  }
0x8a: {  	s1 =	srdreg.scid  }
0x8b: {  	s0 =	sand.u32 $0x1, s1  }
0x8c: {  	s16 =	sshll.u32 s0, $0xA;
	s2 =	sadd.s32 s3, s2  }
0x8d: {  	s2 =	sadd.s32 s2, s16  }
0x8e: {  	[smem:$0x3FB2] =	sst s2  }
0x8f: {  	_ = 	snop  }
0x90: {  	(tm) =	ssettm $0x1  }
0x91: {  	s17 =	sld [smem:$0x3FFB];
	_ =	sdelay $0x3  }
0x92: {  	_ =	strace s17  }
0x93: {  	s2 =	sld [smem:$0x3FFC];
	_ =	sdelay $0x3  }
0x94: {  	_ =	strace s2  }
0x95: {  	s2 =	sld [smem:$0x3FFD];
	_ =	sdelay $0x3  }
0x96: {  	_ =	strace s2  }
0x97: {  	_ =	strace $0x8FFFFFFF  }
0x98: {  	s18 =	sld [smem:$0x3FDB];
	_ =	sdelay $0x1  }
0x99: {  	s19 =	simm.s32 $_scs_section_size  }
0x9a: {  	s4 =	simm.s32 $_size__tile_overlayer_lowered;
	s5 =	simm.s32 $_tile_overlayer_lowered  }
0x9b: {  	s22 =	simm.s32 $0x1BFF;
	s21 =	sshll.u32 s5, $0x1;
	s2 =	sadd.s32 s19, s18  }
0x9c: {  	s6 =	simm.s32 $0x0;
	s20 =	sshll.u32 s4, $0x1;
	s4 =	sadd.s32 s21, s2  }
0x9d: {  	[timem:s6], [sflag:s22] =	dma.local [hbm:s4], s20  }
0x9e: {  	_ =	swait.ge [sflag:s22], s20  }
0x9f: {  	s3 =	ssub.s32 $0x0, s20;
	[sflag:s22] =	ssyncset.done $0x0  }
0xa0: {  	[sflag:s22] =	ssyncadd.s32 s3;
	_ =	sdelay $0x1  }
0xa1: {  	s23 =	simm.s32 $0x1B8B  }
0xa2: {  	_ =	swait.ge [sflag:s23], $0x1  }
0xa3: {  	[sflag:s23] =	ssyncset.done $0x0  }
0xa4: {  	s25 =	simm.s32 $0x1B8E;
	s24 =	sld [smem:$0x3FFE];
	[sflag:s23] =	ssyncadd.s32 $0xFFFFFFFF  }
0xa5: {  	s26 =	simm.s32 $execute0_lowered;
	[smem:$0x3FD2] =	sst s25  }
0xa6: {  	s4 =	sshll.u32 s26, $0x1;
	_ =	strace $0x80000046;
	[dreg:$0x1] =	wrdreg $0xFFFFFFFF  }
0xa7: {  	s28 =	simm.s32 $_size_execute0_lowered;
	s2 =	sadd.s32 s2, s4;
	[dreg:$0x0] =	wrdreg $0x0  }
0xa8: {  	s4 =	sshll.u32 s28, $0x1;
	[dreg:$0x2] =	wrdreg s2  }
0xa9: {  	[dreg:$0x3] =	wrdreg s4  }
0xaa: {  	[dreg:$0x4] =	wrdreg $0xC0  }
0xab: {  	_ =	task [dreg:s6], $0x5FFFF  }
0xac: {  	[dreg:$0x1] =	wrdreg $0xFFFFFFFF  }
0xad: {  	[dreg:$0x0] =	wrdreg $0x60  }
0xae: {  	[dreg:$0x2] =	wrdreg s24  }
0xaf: {  	[dreg:$0x3] =	wrdreg $0x9  }
0xb0: {  	_ =	task.clear_ibuf [dreg:s6], $0x4FFFF;
	_ =	strace $0x90000046  }
0xb1: {  	s29 =	simm.s32 $0x9;
	_ =	strace $0x80000048  }
0xb2: {  	_ =	swait.ge [sflag:s29], $0x1  }
0xb3: {  	[sflag:s29] =	ssyncadd.s32 $0xFFFFFFFF  }
0xb4: {  	_ =	strace $0x90000048  }
0xb5: {  	_ =	sfence  }
0xb6: {  	s30 =	sld [smem:$0x0];
	_ =	sdelay $0x2  }
0xb7: {  	s31 =	sshll.u32 s1, $0xD;
	s1 =	sshrl.u32 s1, $0x2  }
0xb8: {  	s3 =	sand.u32 $0x4000, s31;
	s1 =	sadd.s32 s1, s30  }
0xb9: {  	s0 =	sor.u32 s3, s0;
	s1 =	sshll.u32 s1, $0x11  }
0xba: {  	s0 =	sor.u32 s1, s0  }
0xbb: {  	s0 =	sadd.s32 $0x8F2B, s0  }
0xbc: {  	[sflag:s0] =	ssyncadd.remote.s32 $0x1  }
0xbd: {  	_ =	sfence.sel $0xFFFF  }
0xbe: {  	[dreg:$0x0] =	wrdreg $0xFFFFFFFF;
	(pc) =	sbr.abs _section_cstart, $3  }
0xbf: {  	[dreg:$0x1] =	wrdreg $0xFFFFFFFF  }
0xc0: {  	_ =	task.clear_ibuf [dreg:s6], $0x2FFFF;
	_ =	strace $0x9FFFFFFF  }
0xc1: {  	(tm) =	ssettm $0x7FFFFFFF  }
tec
execute0_lowered:
.L_overlay_start_1:
0x0: {  	(tag) =	ssettag $0x1  }
0x1: {  	s5 =	rddreg [dreg:$0x0]  }
0x2: {  	s0 =	rddreg [dreg:$0x1];
	s3 =	srdreg.scid  }
0x3: {  	s2 =	simm.s32 $0x0;
	s1 =	stileid.u32;
	s13 =	simm.s32 $0x100  }
0x4: {  	s14 =	simm.s32 $0x3900;
	s15 =	simm.s32 $0x1;
	s16 =	simm.s32 $0x2  }
0x5: {  	s17 =	simm.s32 $0x0;
	s7 =	sand.u32 $0x1, s3;
	s26 =	sshll.u32 s1, $0x8  }
0x6: {  	s6 =	smul.u32 $0x7000, s1;
	[smem:$0x7FF] =	sst s2;
	s3 =	sadd.s32 $0x2600, s5  }
0x7: {  	s28 =	sshll.u32 s1, $0x9;
	p0 =	seq.s32 s1, $0x0;
	s4 =	sshll.u32 s7, $0x7  }
0x8: {  	s8 =	smul.u32 $0x3800, s7;
	_ =	strace $0x80000047;
	s10 =	ssub.s32 $0x2, s7  }
0x9: {  	s12 =	sadd.s32 s28, s5;
	s31 =	sshll.u32 s7, $0x8;
	s4 =	sor.u32 s4, s26  }
0xa: {  	s29 =	sshrl.u32 s10, $0x1;
	s9 =	sshrl.u32 s4, $0x3;
	s4 =	sadd.s32 $0x24A00, s5  }
0xb: {  	s6 =	sadd.s32 s8, s6;
	s30 =	ssub.s32 s10, s29;
	s10 =	sadd.s32 s31, s12  }
0xc: {  	s12 =	simm.s32 $0x80;
	s9 =	sadd.s32 s9, s5;
	s6 =	sshrl.u32 s6, $0x3  }
0xd: {  	s10 =	sadd.s32 $0x33A00, s10;
	s11 =	sadd.s32 s6, s5;
	s5 =	simm.s32 $0x28  }
0xe: {  	s6 =	smax.u32 s30, $0x1;
	s8 =	sadd.s32 $0x2EA00, s9;
	s9 =	sadd.s32 $0x29A00, s9  }
0xf: {  	s5 =	simm.s32 @!p0 $0x27;
	s7 =	sadd.s32 $0x81C00, s11;
	s11 =	simm.s32 $0x3  }
.LBB2_1:
0x10: {  	[tilespmem:s2], [sflag:$0x3] =	stream.linear.gather [hbm4b:s9+s2], $0x80, $0x38;
	[tilespmem:$0x4100] =	vst v63  }
0x11: {  	_ =	swait.ge [sflag:s11], $0x80  }
0x12: {  	[sflag:s11] =	ssyncset.done $0x0  }
0x13: {  	[sflag:s11] =	ssyncadd.s32 $0xFFFFFF80  }
0x14: {  	[tilespmem:s12], [sflag:$0x3] =	stream.linear.gather [hbm4b:s8+s2], $0x80, $0x38;
	[tilespmem:$0x4100] =	vst v63  }
0x15: {  	_ =	swait.ge [sflag:s11], $0x80  }
0x16: {  	[sflag:s11] =	ssyncset.done $0x0  }
0x17: {  	[sflag:s11] =	ssyncadd.s32 $0xFFFFFF80  }
0x18: {  	[tilespmem:s13], [sflag:$0x1] =	stream.indirect.gather [hbm4b:s3+s12], $0x70, s2, s12, $0xb8;
	[tilespmem:$0x4100] =	vst v63  }
0x19: {  	_ = 	snop  }
0x1a: {  	[tilespmem:s14], [sflag:$0x2] =	stream.indirect.gather [hbm4b:s4+s12], $0x10, s12, s12, $0xb8;
	[tilespmem:$0x4100] =	vst v63  }
0x1b: {  	_ =	swait.ge [sflag:s15], $0x3800  }
0x1c: {  	[sflag:s15] =	ssyncset.done $0x0  }
0x1d: {  	[sflag:s15] =	ssyncadd.s32 $0xFFFFC800  }
0x1e: {  	_ =	swait.ge [sflag:s16], $0x800  }
0x1f: {  	[sflag:s16] =	ssyncset.done $0x0  }
0x20: {  	[sflag:s16] =	ssyncadd.s32 $0xFFFFF800  }
0x21: {  	[hbm4b:s7+s2] =	stream.linear.scatter [tilespmem:s13], [sflag:$0x3], $0x3800, $0x38;
	[tilespmem:$0x4100] =	vst v63  }
0x22: {  	p0 =	sne.s32 s5, $0x1;
	_ =	swait.ge [sflag:s11], $0x3800  }
.Ltmp0:
0x23: {  	[sflag:s11] =	ssyncset.done $0x0;
	(pc) =	sbr.rel @!p0 .LBB2_3-.Ltmp0, $4  }
0x24: {  	s18 =	sadd.s32 $0xFFFFFFFF, s5;
	[sflag:s11] =	ssyncadd.s32 $0xFFFFC800  }
0x25: {  	[hbm4b:s10+s2] =	stream.linear.scatter [tilespmem:s14], [sflag:$0x3], $0x800, $0x38;
	[tilespmem:$0x4100] =	vst v63  }
0x26: {  	s19 =	sadd.s32 $0x200, s9;
	s20 =	sadd.s32 $0x2000, s10;
	_ =	swait.ge [sflag:s11], $0x800  }
0x27: {  	s21 =	smov.u32 s7;
	s22 =	smov.u32 s8;
	[sflag:s11] =	ssyncset.done $0x0  }
.LBB2_2:
0x28: {  	[sflag:s11] =	ssyncadd.s32 $0xFFFFF800;
	s21 =	sadd.s32 $0xE000, s21;
	s22 =	sadd.s32 $0x200, s22  }
0x29: {  	[tilespmem:s2], [sflag:$0x3] =	stream.linear.gather [hbm4b:s19+s2], $0x80, $0x38;
	[tilespmem:$0x4100] =	vst v63  }
0x2a: {  	p0 =	sne.s32 s18, $0x1;
	s18 =	sadd.s32 $0xFFFFFFFF, s18;
	_ =	swait.ge [sflag:s11], $0x80  }
0x2b: {  	[sflag:s11] =	ssyncset.done $0x0  }
0x2c: {  	[sflag:s11] =	ssyncadd.s32 $0xFFFFFF80  }
0x2d: {  	[tilespmem:s12], [sflag:$0x3] =	stream.linear.gather [hbm4b:s22+s2], $0x80, $0x38;
	[tilespmem:$0x4100] =	vst v63  }
0x2e: {  	_ =	swait.ge [sflag:s11], $0x80  }
0x2f: {  	[sflag:s11] =	ssyncset.done $0x0  }
0x30: {  	[sflag:s11] =	ssyncadd.s32 $0xFFFFFF80  }
0x31: {  	[tilespmem:s13], [sflag:$0x1] =	stream.indirect.gather [hbm4b:s3+s12], $0x70, s2, s12, $0xb8;
	[tilespmem:$0x4100] =	vst v63  }
0x32: {  	_ = 	snop  }
0x33: {  	[tilespmem:s14], [sflag:$0x2] =	stream.indirect.gather [hbm4b:s4+s12], $0x10, s12, s12, $0xb8;
	[tilespmem:$0x4100] =	vst v63  }
0x34: {  	_ =	swait.ge [sflag:s15], $0x3800  }
0x35: {  	[sflag:s15] =	ssyncset.done $0x0  }
0x36: {  	[sflag:s15] =	ssyncadd.s32 $0xFFFFC800  }
0x37: {  	_ =	swait.ge [sflag:s16], $0x800  }
0x38: {  	[sflag:s16] =	ssyncset.done $0x0  }
0x39: {  	[sflag:s16] =	ssyncadd.s32 $0xFFFFF800  }
0x3a: {  	[hbm4b:s21+s2] =	stream.linear.scatter [tilespmem:s13], [sflag:$0x3], $0x3800, $0x38;
	[tilespmem:$0x4100] =	vst v63  }
0x3b: {  	_ =	swait.ge [sflag:s11], $0x3800  }
.Ltmp1:
0x3c: {  	[sflag:s11] =	ssyncset.done $0x0;
	(pc) =	sbr.rel @p0 .LBB2_2-.Ltmp1, $4  }
0x3d: {  	[sflag:s11] =	ssyncadd.s32 $0xFFFFC800  }
0x3e: {  	[hbm4b:s20+s2] =	stream.linear.scatter [tilespmem:s14], [sflag:$0x3], $0x800, $0x38;
	[tilespmem:$0x4100] =	vst v63  }
0x3f: {  	_ =	swait.ge [sflag:s11], $0x800  }
0x40: {  	s19 =	sadd.s32 $0x200, s19;
	s20 =	sadd.s32 $0x2000, s20;
	[sflag:s11] =	ssyncset.done $0x0  }
.LBB2_3:
0x41: {  	s17 =	sadd.s32 $0x1, s17  }
0x42: {  	p0 =	sne.s32 s17, s6  }
.Ltmp2:
0x43: {  	_ = 	snop;
	(pc) =	sbr.rel @p0 .LBB2_1-.Ltmp2, $2  }
0x44: {  	_ =	sdelay $0x2  }
0x45: {  	[sflag:s11] =	ssyncadd.s32 $0xFFFFF800  }
0x46: {  	_ =	sfence.sel $0x180000  }
0x47: {  	[bflag:$0x0] =	sbarrier.arrive $0xFFFF  }
0x48: {  	p0 =	sne.s32 s1, $0x0;
	_ =	strace $0x90000047  }
0x49: {  	s0 =	sadd.s32 @!p0 $0x100000, s0;
	[bflag:$0x2] =	sbarrier.arrive $0xFFFF  }
0x4a: {  	[sflag:s0] =	ssyncadd.tile.s32 @!p0 $0x1;
	_ =	shalt  }
.Lfunc_end2:
_tile_overlayer_lowered:
.L_overlay_start_2:
0x4b: {  	(tag) =	ssettag $0x2  }
0x4c: {  	s0 =	rddreg [dreg:$0x0];
	s2 =	stileid.u32  }
0x4d: {  	s1 =	rddreg [dreg:$0x1];
	p0 =	sne.s32 s2, $0x0  }
0x4e: {  	s3 =	rddreg [dreg:$0x2];
	[bflag:$0x3] =	sbarrier.arrive $0xFFFF;
	s2 =	simm.s32 @!p0 $0x1C03  }
0x4f: {  	[timem:s3], [sflag:s2] =	dma.local @!p0 [hbm:s0], s1  }
0x50: {  	s0 =	simm.s32 @!p0 $0x3  }
0x51: {  	_ =	swait.ge @!p0 [sflag:s0], s1  }
0x52: {  	s1 =	ssub.s32 @!p0 $0x0, s1;
	[sflag:s0] =	ssyncset.done @!p0 $0x0  }
0x53: {  	[sflag:s0] =	ssyncadd.s32 @!p0 s1  }
0x54: {  	[bflag:$0x3] =	sbarrier.arrive $0xFFFF  }
0x55: {  	_ =	shalt  }

</sc_bundles>
